<compile_context>
chip_gen: v7x
topology: tpu7x:2x2x1
jax: 0.10.2.dev20260603
libtpu: 0.0.44.dev20260713+nightly
codegen_flags: <defaults>
</compile_context>

<pallas_src>
import functools

import jax
import jax.numpy as jnp
from jax import lax
from jax.experimental import pallas as pl
from jax.experimental.pallas import tpu as pltpu
from jax.experimental.pallas import tpu_sc as plsc

_NC = 2
_NS = 16
_NW = _NC * _NS
_LANES = 16


def _dequant_body(w_ref, s_ref, o_ref):
    vals = w_ref[...].astype(jnp.bfloat16) * s_ref[...]
    u = pltpu.bitcast(vals, jnp.uint16).astype(jnp.uint32)
    o_ref[...] = (u | (u << 16)).astype(jnp.int32)


def _dequant_table(weight, scaler, blk=4000):
    n, d = weight.shape
    return pl.pallas_call(
        _dequant_body,
        grid=(n // blk,),
        in_specs=[
            pl.BlockSpec((blk, d), lambda i: (i, 0)),
            pl.BlockSpec((1, d), lambda i: (0, 0)),
        ],
        out_specs=pl.BlockSpec((blk, d), lambda i: (i, 0)),
        out_shape=jax.ShapeDtypeStruct((n, d), jnp.int32),
    )(weight, scaler.reshape(1, d))


def _make_gather(b, h, d, n, nb):
    num_idx = b * h
    per_w = num_idx // _NW
    batches_per_w = b // _NW
    chunk = nb * h
    hp = h // 2
    n_chunks = batches_per_w // nb
    assert b % _NW == 0 and batches_per_w % nb == 0 and h % 2 == 0
    assert nb == 1

    @functools.partial(
        pl.kernel,
        out_type=jax.ShapeDtypeStruct((b, h, d), jnp.bfloat16),
        mesh=plsc.VectorSubcoreMesh(
            core_axis_name="c", subcore_axis_name="s",
            num_cores=_NC, num_subcores=_NS),
        scratch_types=[
            pltpu.VMEM((per_w,), jnp.int32),
            pltpu.VMEM((chunk, d), jnp.int32),
            pltpu.VMEM((chunk, d), jnp.int32),
            pltpu.VMEM((nb, hp, d), jnp.int32),
            pltpu.VMEM((nb, hp, d), jnp.int32),
            pltpu.SemaphoreType.DMA,
            pltpu.SemaphoreType.DMA,
            pltpu.SemaphoreType.DMA,
            pltpu.SemaphoreType.DMA,
        ],
        compiler_params=pltpu.CompilerParams(needs_layout_passes=False),
    )
    def gather_kernel(table_hbm, idx_hbm, out_hbm, idx_v, g0, g1, s0, s1,
                      gsem0, gsem1, ssem0, ssem1):
        wid = lax.axis_index("s") * _NC + lax.axis_index("c")
        base = wid * per_w
        batch0 = wid * batches_per_w
        out32 = out_hbm.bitcast(jnp.int32)
        pltpu.sync_copy(idx_hbm.at[pl.ds(base, per_w)], idx_v)

        gbufs = (g0, g1)
        sbufs = (s0, s1)
        gsems = (gsem0, gsem1)
        ssems = (ssem0, ssem1)

        lo_mask = jnp.int32(0xFFFF)

        def gather_copy(i, bsel):
            return pltpu.make_async_copy(
                table_hbm.at[idx_v.at[pl.ds(i * chunk, chunk)]],
                gbufs[bsel], gsems[bsel])

        def store_copy(i, bsel):
            return pltpu.make_async_copy(
                sbufs[bsel], out32.at[pl.ds(batch0 + i * nb, nb)],
                ssems[bsel])

        def pack_chunk(bsel):
            g = gbufs[bsel]
            s = sbufs[bsel]

            @plsc.parallel_loop(0, nb * hp, unroll=4)
            def _pack(p):
                for k in range(d // _LANES):
                    va = g[2 * p, pl.ds(k * _LANES, _LANES)]
                    vb = g[2 * p + 1, pl.ds(k * _LANES, _LANES)]
                    s[0, p, pl.ds(k * _LANES, _LANES)] = (
                        (va & lo_mask) | (vb << 16))

        gather_copy(0, 0).start()

        def chunk_body(i, _):
            for bsel in range(2):
                @pl.when(lax.rem(i, 2) == bsel)
                def _():
                    @pl.when(i + 1 < n_chunks)
                    def _():
                        gather_copy(i + 1, 1 - bsel).start()
                    gather_copy(i, bsel).wait()
                    @pl.when(i >= 2)
                    def _():
                        store_copy(i - 2, bsel).wait()
                    pack_chunk(bsel)
                    store_copy(i, bsel).start()
            return ()

        lax.fori_loop(0, n_chunks, chunk_body, ())
        store_copy(n_chunks - 2, n_chunks % 2).wait()
        store_copy(n_chunks - 1, 1 - n_chunks % 2).wait()

    return gather_kernel


def kernel(input, weight, weight_scaler):
    b, h = input.shape
    n, d = weight.shape
    table32 = _dequant_table(weight, weight_scaler)
    flat_idx = input.reshape(-1)
    gather = _make_gather(b, h, d, n, nb=1)
    return gather(table32, flat_idx)

# --- scband reference (transcript-rebuilt; emitter-appended) ---
"""Pipeline reference for scband-int8-embedding-38225208934696 (READ-ONLY COPY).

The authoritative reference and input builder live on the scoring server;
editing this copy changes nothing except your own understanding.
"""

import jax, jax.numpy as jnp
import numpy as np

NUM_EMBEDDINGS = 100000
EMBEDDING_DIMS = 128
BATCH = 1024
HIST = 200

def setup_inputs(seed: int = 0) -> dict:
    key = jax.random.key(seed)
    k_idx, k_w, k_s = jax.random.split(key, 3)
    input = jax.random.randint(k_idx, (BATCH, HIST), 0, NUM_EMBEDDINGS, dtype=jnp.int64 if jax.config.jax_enable_x64 else jnp.int32).astype(jnp.int32)
    # int8 quantized embedding table (buffer)
    weight = jax.random.randint(k_w, (NUM_EMBEDDINGS, EMBEDDING_DIMS), -128, 128, dtype=jnp.int32).astype(jnp.int8)
    # per-dim bfloat16 scaler (buffer)
    weight_scaler = jax.random.uniform(k_s, (EMBEDDING_DIMS,), dtype=jnp.float32, minval=0.01, maxval=0.1).astype(jnp.bfloat16)
    return {"input": input, "weight": weight, "weight_scaler": weight_scaler}

def reference(input, weight, weight_scaler):
    # F.embedding(input, weight) -> gather rows of int8 table
    emb = jnp.take(weight, input, axis=0)  # int8 [B, L, D]
    # multiply by per-dim bfloat16 scaler (promotes to bfloat16, matching torch semantics)
    out = emb.astype(jnp.bfloat16) * weight_scaler
    return out

if __name__ == "__main__":
    import jax
    _d = setup_inputs()
    print(jax.jit(kernel)(*tuple(_d.values())))

</pallas_src>

<mosaic_0001>
#map = affine_map<(d0, d1) -> (0, 0)>
#map1 = affine_map<(d0, d1) -> (0)>
#map2 = affine_map<(d0, d1) -> (0, 0, 0)>
module attributes {stable_mosaic.version = 14 : i64} {
  func.func @gather_kernel(%arg0: i32, %arg1: i32, %arg2: memref<100000x128xi32, #tpu.memory_space<hbm>>, %arg3: memref<204800xi32, #tpu.memory_space<hbm>>, %arg4: memref<1024x200x128xbf16, #tpu.memory_space<hbm>>, %arg5: memref<6400xi32, #tpu.memory_space<vmem>>, %arg6: memref<200x128xi32, #tpu.memory_space<vmem>>, %arg7: memref<200x128xi32, #tpu.memory_space<vmem>>, %arg8: memref<1x100x128xi32, #tpu.memory_space<vmem>>, %arg9: memref<1x100x128xi32, #tpu.memory_space<vmem>>, %arg10: memref<!tpu.dma_semaphore, #tpu.memory_space<semaphore_mem>>, %arg11: memref<!tpu.dma_semaphore, #tpu.memory_space<semaphore_mem>>, %arg12: memref<!tpu.dma_semaphore, #tpu.memory_space<semaphore_mem>>, %arg13: memref<!tpu.dma_semaphore, #tpu.memory_space<semaphore_mem>>) attributes {dimension_semantics = [#tpu.dimension_semantics<core_parallel>, #tpu.dimension_semantics<subcore_parallel>], iteration_bounds = array<i64: 2, 16>, scalar_prefetch = 0 : i64, scratch_operands = 9 : i64, tpu.core_type = #tpu.core_type<sc_vector_subcore>, window_params = [{transform_indices = #map}, {transform_indices = #map1}, {transform_indices = #map2}]} {
    %mul3A = arith.constant 2 : i32
    %mul3A_0 = arith.muli %arg1, %mul3A : i32
    %add3A = arith.addi %mul3A_0, %arg0 : i32
    %mul3A_1 = arith.constant 6400 : i32
    %mul3A_2 = arith.muli %add3A, %mul3A_1 : i32
    %mul3A_3 = arith.constant 32 : i32
    %mul3A_4 = arith.muli %add3A, %mul3A_3 : i32
    "tpu.region"() ({
      %run_scoped3A = tpu.sem_alloc : memref<!tpu.dma_semaphore, #tpu.memory_space<semaphore_mem>>
      %dma_start3A_33 = tpu.memref_slice %arg3[%mul3A_2] : memref<204800xi32, #tpu.memory_space<hbm>> -> memref<6400xi32, #tpu.memory_space<hbm>>
      %dma_start3A_34 = tpu.memref_slice %arg3[%mul3A_2] : memref<204800xi32, #tpu.memory_space<hbm>> -> memref<6400xi32, #tpu.memory_space<hbm>>
      tpu.enqueue_dma source(%dma_start3A_34 : memref<6400xi32, #tpu.memory_space<hbm>>) target(%arg5 : memref<6400xi32, #tpu.memory_space<vmem>>) target_semaphore(%run_scoped3A : memref<!tpu.dma_semaphore, #tpu.memory_space<semaphore_mem>>)
      %dma_wait3A_35 = tpu.memref_slice %arg3[%mul3A_2] : memref<204800xi32, #tpu.memory_space<hbm>> -> memref<6400xi32, #tpu.memory_space<hbm>>
      %dma_wait3A_36 = tpu.memref_slice %arg3[%mul3A_2] : memref<204800xi32, #tpu.memory_space<hbm>> -> memref<6400xi32, #tpu.memory_space<hbm>>
      tpu.wait_dma2 semaphore(%run_scoped3A : memref<!tpu.dma_semaphore, #tpu.memory_space<semaphore_mem>>) src(%dma_wait3A_36 : memref<6400xi32, #tpu.memory_space<hbm>>) dst(%arg5 : memref<6400xi32, #tpu.memory_space<vmem>>)
      tpu.yield
    }) : () -> ()
    %dma_start3A = arith.constant 0 : i32
    %dma_start3A_5 = tpu.memref_slice %arg5[%dma_start3A] : memref<6400xi32, #tpu.memory_space<vmem>> -> memref<200xi32, #tpu.memory_space<vmem>>
    %dma_start3A_6 = arith.constant 0 : i32
    %dma_start3A_7 = arith.constant 0 : i32
    %dma_start3A_8 = tpu.memref_slice %arg2[%dma_start3A_6, %dma_start3A_7] : memref<100000x128xi32, #tpu.memory_space<hbm>> -> memref<100000x128xi32, #tpu.memory_space<hbm>>
    tpu.enqueue_indirect_dma source(%dma_start3A_8 : memref<100000x128xi32, #tpu.memory_space<hbm>>) target(%arg6 : memref<200x128xi32, #tpu.memory_space<vmem>>) offsets(%dma_start3A_5 : memref<200xi32, #tpu.memory_space<vmem>>) semaphore(%arg10 : memref<!tpu.dma_semaphore, #tpu.memory_space<semaphore_mem>>)
    %scan3A = arith.constant 65535 : i32
    %scan3A_9 = arith.constant 0 : i32
    %scan3A_10 = arith.constant 32 : i32
    %scan3A_11 = arith.addi %scan3A_9, %scan3A_10 : i32
    %scan3A_12 = arith.constant 1 : i32
    scf.for %scan3A_33 = %scan3A_9 to %scan3A_11 step %scan3A_12  : i32 {
      %rem3A = arith.constant 2 : i32
      %rem3A_34 = arith.remsi %scan3A_33, %rem3A : i32
      %eq3A = arith.constant 0 : i32
      %eq3A_35 = arith.cmpi eq, %rem3A_34, %eq3A : i32
      %convert_element_type3A = arith.extui %eq3A_35 : i1 to i32
      %cond3A = arith.constant 0 : i32
      %cond3A_36 = arith.cmpi ne, %convert_element_type3A, %cond3A : i32
      scf.if %cond3A_36 {
        %add3A_44 = arith.constant 1 : i32
        %add3A_45 = arith.addi %scan3A_33, %add3A_44 : i32
        %lt3A = arith.constant 32 : i32
        %lt3A_46 = arith.cmpi slt, %add3A_45, %lt3A : i32
        %convert_element_type3A_47 = arith.extui %lt3A_46 : i1 to i32
        %cond3A_48 = arith.constant 0 : i32
        %cond3A_49 = arith.cmpi ne, %convert_element_type3A_47, %cond3A_48 : i32
        scf.if %cond3A_49 {
          %add3A_73 = arith.constant 1 : i32
          %add3A_74 = arith.addi %scan3A_33, %add3A_73 : i32
          %mul3A_75 = arith.constant 200 : i32
          %mul3A_76 = arith.muli %add3A_74, %mul3A_75 : i32
          %dma_start3A_77 = tpu.memref_slice %arg5[%mul3A_76] : memref<6400xi32, #tpu.memory_space<vmem>> -> memref<200xi32, #tpu.memory_space<vmem>>
          %dma_start3A_78 = arith.constant 0 : i32
          %dma_start3A_79 = arith.constant 0 : i32
          %dma_start3A_80 = tpu.memref_slice %arg2[%dma_start3A_78, %dma_start3A_79] : memref<100000x128xi32, #tpu.memory_space<hbm>> -> memref<100000x128xi32, #tpu.memory_space<hbm>>
          tpu.enqueue_indirect_dma source(%dma_start3A_80 : memref<100000x128xi32, #tpu.memory_space<hbm>>) target(%arg7 : memref<200x128xi32, #tpu.memory_space<vmem>>) offsets(%dma_start3A_77 : memref<200xi32, #tpu.memory_space<vmem>>) semaphore(%arg11 : memref<!tpu.dma_semaphore, #tpu.memory_space<semaphore_mem>>)
        } else {
        }
        %mul3A_50 = arith.constant 200 : i32
        %mul3A_51 = arith.muli %scan3A_33, %mul3A_50 : i32
        %dma_wait3A_52 = tpu.memref_slice %arg5[%mul3A_51] : memref<6400xi32, #tpu.memory_space<vmem>> -> memref<200xi32, #tpu.memory_space<vmem>>
        %dma_wait3A_53 = arith.constant 0 : i32
        %dma_wait3A_54 = arith.constant 0 : i32
        %dma_wait3A_55 = tpu.memref_slice %arg2[%dma_wait3A_53, %dma_wait3A_54] : memref<100000x128xi32, #tpu.memory_space<hbm>> -> memref<100000x128xi32, #tpu.memory_space<hbm>>
        tpu.wait_indirect_dma semaphore(%arg10 : memref<!tpu.dma_semaphore, #tpu.memory_space<semaphore_mem>>) src(%dma_wait3A_55 : memref<100000x128xi32, #tpu.memory_space<hbm>>) dst(%arg6 : memref<200x128xi32, #tpu.memory_space<vmem>>)
        %ge3A = arith.constant 2 : i32
        %ge3A_56 = arith.cmpi sge, %scan3A_33, %ge3A : i32
        %convert_element_type3A_57 = arith.extui %ge3A_56 : i1 to i32
        %cond3A_58 = arith.constant 0 : i32
        %cond3A_59 = arith.cmpi ne, %convert_element_type3A_57, %cond3A_58 : i32
        scf.if %cond3A_59 {
          %sub3A = arith.constant 2 : i32
          %sub3A_73 = arith.subi %scan3A_33, %sub3A : i32
          %mul3A_74 = arith.constant 1 : i32
          %mul3A_75 = arith.muli %sub3A_73, %mul3A_74 : i32
          %add3A_76 = arith.addi %mul3A_4, %mul3A_75 : i32
          %dma_wait3A_77 = tpu.memref_bitcast %arg4 : memref<1024x200x128xbf16, #tpu.memory_space<hbm>> -> memref<1024x100x128xi32, #tpu.memory_space<hbm>>
          %dma_wait3A_78 = arith.constant 0 : i32
          %dma_wait3A_79 = arith.constant 0 : i32
          %dma_wait3A_80 = tpu.memref_slice %dma_wait3A_77[%add3A_76, %dma_wait3A_78, %dma_wait3A_79] : memref<1024x100x128xi32, #tpu.memory_space<hbm>> -> memref<1x100x128xi32, #tpu.memory_space<hbm>>
          %dma_wait3A_81 = tpu.memref_bitcast %arg4 : memref<1024x200x128xbf16, #tpu.memory_space<hbm>> -> memref<1024x100x128xi32, #tpu.memory_space<hbm>>
          %dma_wait3A_82 = arith.constant 0 : i32
          %dma_wait3A_83 = arith.constant 0 : i32
          %dma_wait3A_84 = tpu.memref_slice %dma_wait3A_81[%add3A_76, %dma_wait3A_82, %dma_wait3A_83] : memref<1024x100x128xi32, #tpu.memory_space<hbm>> -> memref<1x100x128xi32, #tpu.memory_space<hbm>>
          tpu.wait_dma2 semaphore(%arg12 : memref<!tpu.dma_semaphore, #tpu.memory_space<semaphore_mem>>) src(%arg8 : memref<1x100x128xi32, #tpu.memory_space<vmem>>) dst(%dma_wait3A_84 : memref<1x100x128xi32, #tpu.memory_space<hbm>>)
        } else {
        }
        %parallel_loop3A = arith.constant 0 : i32
        %parallel_loop3A_60 = arith.constant 100 : i32
        %parallel_loop3A_61 = arith.constant 1 : i32
        scf.for %parallel_loop3A_73 = %parallel_loop3A to %parallel_loop3A_60 step %parallel_loop3A_61  : i32 {
          %parallel_loop3A_74 = arith.constant 2 : i32
          %parallel_loop3A_75 = arith.muli %parallel_loop3A_74, %parallel_loop3A_73 : i32
          %parallel_loop3A_76 = arith.index_cast %parallel_loop3A_75 : i32 to index
          %parallel_loop3A_77 = arith.constant 0 : index
          %parallel_loop3A_78 = tpu.vector_load %arg6[%parallel_loop3A_76, %parallel_loop3A_77] {strides = array<i32>} : memref<200x128xi32, #tpu.memory_space<vmem>>, vector<16xi32>,
          %parallel_loop3A_79 = arith.constant 2 : i32
          %parallel_loop3A_80 = arith.muli %parallel_loop3A_79, %parallel_loop3A_73 : i32
          %parallel_loop3A_81 = arith.constant 1 : i32
          %parallel_loop3A_82 = arith.addi %parallel_loop3A_80, %parallel_loop3A_81 : i32
          %parallel_loop3A_83 = arith.index_cast %parallel_loop3A_82 : i32 to index
          %parallel_loop3A_84 = arith.constant 0 : index
          %parallel_loop3A_85 = tpu.vector_load %arg6[%parallel_loop3A_83, %parallel_loop3A_84] {strides = array<i32>} : memref<200x128xi32, #tpu.memory_space<vmem>>, vector<16xi32>,
          %parallel_loop3A_86 = vector.broadcast %scan3A : i32 to vector<16xi32>
          %parallel_loop3A_87 = arith.andi %parallel_loop3A_78, %parallel_loop3A_86 : vector<16xi32>
          %parallel_loop3A_88 = arith.constant 16 : i32
          %parallel_loop3A_89 = vector.broadcast %parallel_loop3A_88 : i32 to vector<16xi32>
          %parallel_loop3A_90 = arith.shli %parallel_loop3A_85, %parallel_loop3A_89 : vector<16xi32>
          %parallel_loop3A_91 = arith.ori %parallel_loop3A_87, %parallel_loop3A_90 : vector<16xi32>
          %parallel_loop3A_92 = arith.constant 0 : i32
          %parallel_loop3A_93 = arith.index_cast %parallel_loop3A_92 : i32 to index
          %parallel_loop3A_94 = arith.index_cast %parallel_loop3A_73 : i32 to index
          %parallel_loop3A_95 = arith.constant 0 : index
          %parallel_loop3A_96 = tpu.vector_load %arg8[%parallel_loop3A_93, %parallel_loop3A_94, %parallel_loop3A_95] {strides = array<i32>} : memref<1x100x128xi32, #tpu.memory_space<vmem>>, vector<16xi32>,
          tpu.vector_store %arg8[%parallel_loop3A_93, %parallel_loop3A_94, %parallel_loop3A_95], %parallel_loop3A_91 {strides = array<i32>} : memref<1x100x128xi32, #tpu.memory_space<vmem>>, vector<16xi32>,
          %parallel_loop3A_97 = arith.constant 2 : i32
          %parallel_loop3A_98 = arith.muli %parallel_loop3A_97, %parallel_loop3A_73 : i32
          %parallel_loop3A_99 = arith.index_cast %parallel_loop3A_98 : i32 to index
          %parallel_loop3A_100 = arith.constant 16 : index
          %parallel_loop3A_101 = tpu.vector_load %arg6[%parallel_loop3A_99, %parallel_loop3A_100] {strides = array<i32>} : memref<200x128xi32, #tpu.memory_space<vmem>>, vector<16xi32>,
          %parallel_loop3A_102 = arith.constant 2 : i32
          %parallel_loop3A_103 = arith.muli %parallel_loop3A_102, %parallel_loop3A_73 : i32
          %parallel_loop3A_104 = arith.constant 1 : i32
          %parallel_loop3A_105 = arith.addi %parallel_loop3A_103, %parallel_loop3A_104 : i32
          %parallel_loop3A_106 = arith.index_cast %parallel_loop3A_105 : i32 to index
          %parallel_loop3A_107 = arith.constant 16 : index
          %parallel_loop3A_108 = tpu.vector_load %arg6[%parallel_loop3A_106, %parallel_loop3A_107] {strides = array<i32>} : memref<200x128xi32, #tpu.memory_space<vmem>>, vector<16xi32>,
          %parallel_loop3A_109 = vector.broadcast %scan3A : i32 to vector<16xi32>
          %parallel_loop3A_110 = arith.andi %parallel_loop3A_101, %parallel_loop3A_109 : vector<16xi32>
          %parallel_loop3A_111 = arith.constant 16 : i32
          %parallel_loop3A_112 = vector.broadcast %parallel_loop3A_111 : i32 to vector<16xi32>
          %parallel_loop3A_113 = arith.shli %parallel_loop3A_108, %parallel_loop3A_112 : vector<16xi32>
          %parallel_loop3A_114 = arith.ori %parallel_loop3A_110, %parallel_loop3A_113 : vector<16xi32>
          %parallel_loop3A_115 = arith.constant 0 : i32
          %parallel_loop3A_116 = arith.index_cast %parallel_loop3A_115 : i32 to index
          %parallel_loop3A_117 = arith.index_cast %parallel_loop3A_73 : i32 to index
          %parallel_loop3A_118 = arith.constant 16 : index
          %parallel_loop3A_119 = tpu.vector_load %arg8[%parallel_loop3A_116, %parallel_loop3A_117, %parallel_loop3A_118] {strides = array<i32>} : memref<1x100x128xi32, #tpu.memory_space<vmem>>, vector<16xi32>,
          tpu.vector_store %arg8[%parallel_loop3A_116, %parallel_loop3A_117, %parallel_loop3A_118], %parallel_loop3A_114 {strides = array<i32>} : memref<1x100x128xi32, #tpu.memory_space<vmem>>, vector<16xi32>,
          %parallel_loop3A_120 = arith.constant 2 : i32
          %parallel_loop3A_121 = arith.muli %parallel_loop3A_120, %parallel_loop3A_73 : i32
          %parallel_loop3A_122 = arith.index_cast %parallel_loop3A_121 : i32 to index
          %parallel_loop3A_123 = arith.constant 32 : index
          %parallel_loop3A_124 = tpu.vector_load %arg6[%parallel_loop3A_122, %parallel_loop3A_123] {strides = array<i32>} : memref<200x128xi32, #tpu.memory_space<vmem>>, vector<16xi32>,
          %parallel_loop3A_125 = arith.constant 2 : i32
          %parallel_loop3A_126 = arith.muli %parallel_loop3A_125, %parallel_loop3A_73 : i32
          %parallel_loop3A_127 = arith.constant 1 : i32
          %parallel_loop3A_128 = arith.addi %parallel_loop3A_126, %parallel_loop3A_127 : i32
          %parallel_loop3A_129 = arith.index_cast %parallel_loop3A_128 : i32 to index
          %parallel_loop3A_130 = arith.constant 32 : index
          %parallel_loop3A_131 = tpu.vector_load %arg6[%parallel_loop3A_129, %parallel_loop3A_130] {strides = array<i32>} : memref<200x128xi32, #tpu.memory_space<vmem>>, vector<16xi32>,
          %parallel_loop3A_132 = vector.broadcast %scan3A : i32 to vector<16xi32>
          %parallel_loop3A_133 = arith.andi %parallel_loop3A_124, %parallel_loop3A_132 : vector<16xi32>
          %parallel_loop3A_134 = arith.constant 16 : i32
          %parallel_loop3A_135 = vector.broadcast %parallel_loop3A_134 : i32 to vector<16xi32>
          %parallel_loop3A_136 = arith.shli %parallel_loop3A_131, %parallel_loop3A_135 : vector<16xi32>
          %parallel_loop3A_137 = arith.ori %parallel_loop3A_133, %parallel_loop3A_136 : vector<16xi32>
          %parallel_loop3A_138 = arith.constant 0 : i32
          %parallel_loop3A_139 = arith.index_cast %parallel_loop3A_138 : i32 to index
          %parallel_loop3A_140 = arith.index_cast %parallel_loop3A_73 : i32 to index
          %parallel_loop3A_141 = arith.constant 32 : index
          %parallel_loop3A_142 = tpu.vector_load %arg8[%parallel_loop3A_139, %parallel_loop3A_140, %parallel_loop3A_141] {strides = array<i32>} : memref<1x100x128xi32, #tpu.memory_space<vmem>>, vector<16xi32>,
          tpu.vector_store %arg8[%parallel_loop3A_139, %parallel_loop3A_140, %parallel_loop3A_141], %parallel_loop3A_137 {strides = array<i32>} : memref<1x100x128xi32, #tpu.memory_space<vmem>>, vector<16xi32>,
          %parallel_loop3A_143 = arith.constant 2 : i32
          %parallel_loop3A_144 = arith.muli %parallel_loop3A_143, %parallel_loop3A_73 : i32
          %parallel_loop3A_145 = arith.index_cast %parallel_loop3A_144 : i32 to index
          %parallel_loop3A_146 = arith.constant 48 : index
          %parallel_loop3A_147 = tpu.vector_load %arg6[%parallel_loop3A_145, %parallel_loop3A_146] {strides = array<i32>} : memref<200x128xi32, #tpu.memory_space<vmem>>, vector<16xi32>,
          %parallel_loop3A_148 = arith.constant 2 : i32
          %parallel_loop3A_149 = arith.muli %parallel_loop3A_148, %parallel_loop3A_73 : i32
          %parallel_loop3A_150 = arith.constant 1 : i32
          %parallel_loop3A_151 = arith.addi %parallel_loop3A_149, %parallel_loop3A_150 : i32
          %parallel_loop3A_152 = arith.index_cast %parallel_loop3A_151 : i32 to index
          %parallel_loop3A_153 = arith.constant 48 : index
          %parallel_loop3A_154 = tpu.vector_load %arg6[%parallel_loop3A_152, %parallel_loop3A_153] {strides = array<i32>} : memref<200x128xi32, #tpu.memory_space<vmem>>, vector<16xi32>,
          %parallel_loop3A_155 = vector.broadcast %scan3A : i32 to vector<16xi32>
          %parallel_loop3A_156 = arith.andi %parallel_loop3A_147, %parallel_loop3A_155 : vector<16xi32>
          %parallel_loop3A_157 = arith.constant 16 : i32
          %parallel_loop3A_158 = vector.broadcast %parallel_loop3A_157 : i32 to vector<16xi32>
          %parallel_loop3A_159 = arith.shli %parallel_loop3A_154, %parallel_loop3A_158 : vector<16xi32>
          %parallel_loop3A_160 = arith.ori %parallel_loop3A_156, %parallel_loop3A_159 : vector<16xi32>
          %parallel_loop3A_161 = arith.constant 0 : i32
          %parallel_loop3A_162 = arith.index_cast %parallel_loop3A_161 : i32 to index
          %parallel_loop3A_163 = arith.index_cast %parallel_loop3A_73 : i32 to index
          %parallel_loop3A_164 = arith.constant 48 : index
          %parallel_loop3A_165 = tpu.vector_load %arg8[%parallel_loop3A_162, %parallel_loop3A_163, %parallel_loop3A_164] {strides = array<i32>} : memref<1x100x128xi32, #tpu.memory_space<vmem>>, vector<16xi32>,
          tpu.vector_store %arg8[%parallel_loop3A_162, %parallel_loop3A_163, %parallel_loop3A_164], %parallel_loop3A_160 {strides = array<i32>} : memref<1x100x128xi32, #tpu.memory_space<vmem>>, vector<16xi32>,
          %parallel_loop3A_166 = arith.constant 2 : i32
          %parallel_loop3A_167 = arith.muli %parallel_loop3A_166, %parallel_loop3A_73 : i32
          %parallel_loop3A_168 = arith.index_cast %parallel_loop3A_167 : i32 to index
          %parallel_loop3A_169 = arith.constant 64 : index
          %parallel_loop3A_170 = tpu.vector_load %arg6[%parallel_loop3A_168, %parallel_loop3A_169] {strides = array<i32>} : memref<200x128xi32, #tpu.memory_space<vmem>>, vector<16xi32>,
          %parallel_loop3A_171 = arith.constant 2 : i32
          %parallel_loop3A_172 = arith.muli %parallel_loop3A_171, %parallel_loop3A_73 : i32
          %parallel_loop3A_173 = arith.constant 1 : i32
          %parallel_loop3A_174 = arith.addi %parallel_loop3A_172, %parallel_loop3A_173 : i32
          %parallel_loop3A_175 = arith.index_cast %parallel_loop3A_174 : i32 to index
          %parallel_loop3A_176 = arith.constant 64 : index
          %parallel_loop3A_177 = tpu.vector_load %arg6[%parallel_loop3A_175, %parallel_loop3A_176] {strides = array<i32>} : memref<200x128xi32, #tpu.memory_space<vmem>>, vector<16xi32>,
          %parallel_loop3A_178 = vector.broadcast %scan3A : i32 to vector<16xi32>
          %parallel_loop3A_179 = arith.andi %parallel_loop3A_170, %parallel_loop3A_178 : vector<16xi32>
          %parallel_loop3A_180 = arith.constant 16 : i32
          %parallel_loop3A_181 = vector.broadcast %parallel_loop3A_180 : i32 to vector<16xi32>
          %parallel_loop3A_182 = arith.shli %parallel_loop3A_177, %parallel_loop3A_181 : vector<16xi32>
          %parallel_loop3A_183 = arith.ori %parallel_loop3A_179, %parallel_loop3A_182 : vector<16xi32>
          %parallel_loop3A_184 = arith.constant 0 : i32
          %parallel_loop3A_185 = arith.index_cast %parallel_loop3A_184 : i32 to index
          %parallel_loop3A_186 = arith.index_cast %parallel_loop3A_73 : i32 to index
          %parallel_loop3A_187 = arith.constant 64 : index
          %parallel_loop3A_188 = tpu.vector_load %arg8[%parallel_loop3A_185, %parallel_loop3A_186, %parallel_loop3A_187] {strides = array<i32>} : memref<1x100x128xi32, #tpu.memory_space<vmem>>, vector<16xi32>,
          tpu.vector_store %arg8[%parallel_loop3A_185, %parallel_loop3A_186, %parallel_loop3A_187], %parallel_loop3A_183 {strides = array<i32>} : memref<1x100x128xi32, #tpu.memory_space<vmem>>, vector<16xi32>,
          %parallel_loop3A_189 = arith.constant 2 : i32
          %parallel_loop3A_190 = arith.muli %parallel_loop3A_189, %parallel_loop3A_73 : i32
          %parallel_loop3A_191 = arith.index_cast %parallel_loop3A_190 : i32 to index
          %parallel_loop3A_192 = arith.constant 80 : index
          %parallel_loop3A_193 = tpu.vector_load %arg6[%parallel_loop3A_191, %parallel_loop3A_192] {strides = array<i32>} : memref<200x128xi32, #tpu.memory_space<vmem>>, vector<16xi32>,
          %parallel_loop3A_194 = arith.constant 2 : i32
          %parallel_loop3A_195 = arith.muli %parallel_loop3A_194, %parallel_loop3A_73 : i32
          %parallel_loop3A_196 = arith.constant 1 : i32
          %parallel_loop3A_197 = arith.addi %parallel_loop3A_195, %parallel_loop3A_196 : i32
          %parallel_loop3A_198 = arith.index_cast %parallel_loop3A_197 : i32 to index
          %parallel_loop3A_199 = arith.constant 80 : index
          %parallel_loop3A_200 = tpu.vector_load %arg6[%parallel_loop3A_198, %parallel_loop3A_199] {strides = array<i32>} : memref<200x128xi32, #tpu.memory_space<vmem>>, vector<16xi32>,
          %parallel_loop3A_201 = vector.broadcast %scan3A : i32 to vector<16xi32>
          %parallel_loop3A_202 = arith.andi %parallel_loop3A_193, %parallel_loop3A_201 : vector<16xi32>
          %parallel_loop3A_203 = arith.constant 16 : i32
          %parallel_loop3A_204 = vector.broadcast %parallel_loop3A_203 : i32 to vector<16xi32>
          %parallel_loop3A_205 = arith.shli %parallel_loop3A_200, %parallel_loop3A_204 : vector<16xi32>
          %parallel_loop3A_206 = arith.ori %parallel_loop3A_202, %parallel_loop3A_205 : vector<16xi32>
          %parallel_loop3A_207 = arith.constant 0 : i32
          %parallel_loop3A_208 = arith.index_cast %parallel_loop3A_207 : i32 to index
          %parallel_loop3A_209 = arith.index_cast %parallel_loop3A_73 : i32 to index
          %parallel_loop3A_210 = arith.constant 80 : index
          %parallel_loop3A_211 = tpu.vector_load %arg8[%parallel_loop3A_208, %parallel_loop3A_209, %parallel_loop3A_210] {strides = array<i32>} : memref<1x100x128xi32, #tpu.memory_space<vmem>>, vector<16xi32>,
          tpu.vector_store %arg8[%parallel_loop3A_208, %parallel_loop3A_209, %parallel_loop3A_210], %parallel_loop3A_206 {strides = array<i32>} : memref<1x100x128xi32, #tpu.memory_space<vmem>>, vector<16xi32>,
          %parallel_loop3A_212 = arith.constant 2 : i32
          %parallel_loop3A_213 = arith.muli %parallel_loop3A_212, %parallel_loop3A_73 : i32
          %parallel_loop3A_214 = arith.index_cast %parallel_loop3A_213 : i32 to index
          %parallel_loop3A_215 = arith.constant 96 : index
          %parallel_loop3A_216 = tpu.vector_load %arg6[%parallel_loop3A_214, %parallel_loop3A_215] {strides = array<i32>} : memref<200x128xi32, #tpu.memory_space<vmem>>, vector<16xi32>,
          %parallel_loop3A_217 = arith.constant 2 : i32
          %parallel_loop3A_218 = arith.muli %parallel_loop3A_217, %parallel_loop3A_73 : i32
          %parallel_loop3A_219 = arith.constant 1 : i32
          %parallel_loop3A_220 = arith.addi %parallel_loop3A_218, %parallel_loop3A_219 : i32
          %parallel_loop3A_221 = arith.index_cast %parallel_loop3A_220 : i32 to index
          %parallel_loop3A_222 = arith.constant 96 : index
          %parallel_loop3A_223 = tpu.vector_load %arg6[%parallel_loop3A_221, %parallel_loop3A_222] {strides = array<i32>} : memref<200x128xi32, #tpu.memory_space<vmem>>, vector<16xi32>,
          %parallel_loop3A_224 = vector.broadcast %scan3A : i32 to vector<16xi32>
          %parallel_loop3A_225 = arith.andi %parallel_loop3A_216, %parallel_loop3A_224 : vector<16xi32>
          %parallel_loop3A_226 = arith.constant 16 : i32
          %parallel_loop3A_227 = vector.broadcast %parallel_loop3A_226 : i32 to vector<16xi32>
          %parallel_loop3A_228 = arith.shli %parallel_loop3A_223, %parallel_loop3A_227 : vector<16xi32>
          %parallel_loop3A_229 = arith.ori %parallel_loop3A_225, %parallel_loop3A_228 : vector<16xi32>
          %parallel_loop3A_230 = arith.constant 0 : i32
          %parallel_loop3A_231 = arith.index_cast %parallel_loop3A_230 : i32 to index
          %parallel_loop3A_232 = arith.index_cast %parallel_loop3A_73 : i32 to index
          %parallel_loop3A_233 = arith.constant 96 : index
          %parallel_loop3A_234 = tpu.vector_load %arg8[%parallel_loop3A_231, %parallel_loop3A_232, %parallel_loop3A_233] {strides = array<i32>} : memref<1x100x128xi32, #tpu.memory_space<vmem>>, vector<16xi32>,
          tpu.vector_store %arg8[%parallel_loop3A_231, %parallel_loop3A_232, %parallel_loop3A_233], %parallel_loop3A_229 {strides = array<i32>} : memref<1x100x128xi32, #tpu.memory_space<vmem>>, vector<16xi32>,
          %parallel_loop3A_235 = arith.constant 2 : i32
          %parallel_loop3A_236 = arith.muli %parallel_loop3A_235, %parallel_loop3A_73 : i32
          %parallel_loop3A_237 = arith.index_cast %parallel_loop3A_236 : i32 to index
          %parallel_loop3A_238 = arith.constant 112 : index
          %parallel_loop3A_239 = tpu.vector_load %arg6[%parallel_loop3A_237, %parallel_loop3A_238] {strides = array<i32>} : memref<200x128xi32, #tpu.memory_space<vmem>>, vector<16xi32>,
          %parallel_loop3A_240 = arith.constant 2 : i32
          %parallel_loop3A_241 = arith.muli %parallel_loop3A_240, %parallel_loop3A_73 : i32
          %parallel_loop3A_242 = arith.constant 1 : i32
          %parallel_loop3A_243 = arith.addi %parallel_loop3A_241, %parallel_loop3A_242 : i32
          %parallel_loop3A_244 = arith.index_cast %parallel_loop3A_243 : i32 to index
          %parallel_loop3A_245 = arith.constant 112 : index
          %parallel_loop3A_246 = tpu.vector_load %arg6[%parallel_loop3A_244, %parallel_loop3A_245] {strides = array<i32>} : memref<200x128xi32, #tpu.memory_space<vmem>>, vector<16xi32>,
          %parallel_loop3A_247 = vector.broadcast %scan3A : i32 to vector<16xi32>
          %parallel_loop3A_248 = arith.andi %parallel_loop3A_239, %parallel_loop3A_247 : vector<16xi32>
          %parallel_loop3A_249 = arith.constant 16 : i32
          %parallel_loop3A_250 = vector.broadcast %parallel_loop3A_249 : i32 to vector<16xi32>
          %parallel_loop3A_251 = arith.shli %parallel_loop3A_246, %parallel_loop3A_250 : vector<16xi32>
          %parallel_loop3A_252 = arith.ori %parallel_loop3A_248, %parallel_loop3A_251 : vector<16xi32>
          %parallel_loop3A_253 = arith.constant 0 : i32
          %parallel_loop3A_254 = arith.index_cast %parallel_loop3A_253 : i32 to index
          %parallel_loop3A_255 = arith.index_cast %parallel_loop3A_73 : i32 to index
          %parallel_loop3A_256 = arith.constant 112 : index
          %parallel_loop3A_257 = tpu.vector_load %arg8[%parallel_loop3A_254, %parallel_loop3A_255, %parallel_loop3A_256] {strides = array<i32>} : memref<1x100x128xi32, #tpu.memory_space<vmem>>, vector<16xi32>,
          tpu.vector_store %arg8[%parallel_loop3A_254, %parallel_loop3A_255, %parallel_loop3A_256], %parallel_loop3A_252 {strides = array<i32>} : memref<1x100x128xi32, #tpu.memory_space<vmem>>, vector<16xi32>,
        } {sc.loop_unroll_factor = 4 : i64, sc.parallel_access}
        %mul3A_62 = arith.constant 1 : i32
        %mul3A_63 = arith.muli %scan3A_33, %mul3A_62 : i32
        %add3A_64 = arith.addi %mul3A_4, %mul3A_63 : i32
        %dma_start3A_65 = tpu.memref_bitcast %arg4 : memref<1024x200x128xbf16, #tpu.memory_space<hbm>> -> memref<1024x100x128xi32, #tpu.memory_space<hbm>>
        %dma_start3A_66 = arith.constant 0 : i32
        %dma_start3A_67 = arith.constant 0 : i32
        %dma_start3A_68 = tpu.memref_slice %dma_start3A_65[%add3A_64, %dma_start3A_66, %dma_start3A_67] : memref<1024x100x128xi32, #tpu.memory_space<hbm>> -> memref<1x100x128xi32, #tpu.memory_space<hbm>>
        %dma_start3A_69 = tpu.memref_bitcast %arg4 : memref<1024x200x128xbf16, #tpu.memory_space<hbm>> -> memref<1024x100x128xi32, #tpu.memory_space<hbm>>
        %dma_start3A_70 = arith.constant 0 : i32
        %dma_start3A_71 = arith.constant 0 : i32
        %dma_start3A_72 = tpu.memref_slice %dma_start3A_69[%add3A_64, %dma_start3A_70, %dma_start3A_71] : memref<1024x100x128xi32, #tpu.memory_space<hbm>> -> memref<1x100x128xi32, #tpu.memory_space<hbm>>
        tpu.enqueue_dma source(%arg8 : memref<1x100x128xi32, #tpu.memory_space<vmem>>) target(%dma_start3A_72 : memref<1x100x128xi32, #tpu.memory_space<hbm>>) target_semaphore(%arg12 : memref<!tpu.dma_semaphore, #tpu.memory_space<semaphore_mem>>)
      } else {
      }
      %rem3A_37 = arith.constant 2 : i32
      %rem3A_38 = arith.remsi %scan3A_33, %rem3A_37 : i32
      %eq3A_39 = arith.constant 1 : i32
      %eq3A_40 = arith.cmpi eq, %rem3A_38, %eq3A_39 : i32
      %convert_element_type3A_41 = arith.extui %eq3A_40 : i1 to i32
      %cond3A_42 = arith.constant 0 : i32
      %cond3A_43 = arith.cmpi ne, %convert_element_type3A_41, %cond3A_42 : i32
      scf.if %cond3A_43 {
        %add3A_44 = arith.constant 1 : i32
        %add3A_45 = arith.addi %scan3A_33, %add3A_44 : i32
        %lt3A = arith.constant 32 : i32
        %lt3A_46 = arith.cmpi slt, %add3A_45, %lt3A : i32
        %convert_element_type3A_47 = arith.extui %lt3A_46 : i1 to i32
        %cond3A_48 = arith.constant 0 : i32
        %cond3A_49 = arith.cmpi ne, %convert_element_type3A_47, %cond3A_48 : i32
        scf.if %cond3A_49 {
          %add3A_73 = arith.constant 1 : i32
          %add3A_74 = arith.addi %scan3A_33, %add3A_73 : i32
          %mul3A_75 = arith.constant 200 : i32
          %mul3A_76 = arith.muli %add3A_74, %mul3A_75 : i32
          %dma_start3A_77 = tpu.memref_slice %arg5[%mul3A_76] : memref<6400xi32, #tpu.memory_space<vmem>> -> memref<200xi32, #tpu.memory_space<vmem>>
          %dma_start3A_78 = arith.constant 0 : i32
          %dma_start3A_79 = arith.constant 0 : i32
          %dma_start3A_80 = tpu.memref_slice %arg2[%dma_start3A_78, %dma_start3A_79] : memref<100000x128xi32, #tpu.memory_space<hbm>> -> memref<100000x128xi32, #tpu.memory_space<hbm>>
          tpu.enqueue_indirect_dma source(%dma_start3A_80 : memref<100000x128xi32, #tpu.memory_space<hbm>>) target(%arg6 : memref<200x128xi32, #tpu.memory_space<vmem>>) offsets(%dma_start3A_77 : memref<200xi32, #tpu.memory_space<vmem>>) semaphore(%arg10 : memref<!tpu.dma_semaphore, #tpu.memory_space<semaphore_mem>>)
        } else {
        }
        %mul3A_50 = arith.constant 200 : i32
        %mul3A_51 = arith.muli %scan3A_33, %mul3A_50 : i32
        %dma_wait3A_52 = tpu.memref_slice %arg5[%mul3A_51] : memref<6400xi32, #tpu.memory_space<vmem>> -> memref<200xi32, #tpu.memory_space<vmem>>
        %dma_wait3A_53 = arith.constant 0 : i32
        %dma_wait3A_54 = arith.constant 0 : i32
        %dma_wait3A_55 = tpu.memref_slice %arg2[%dma_wait3A_53, %dma_wait3A_54] : memref<100000x128xi32, #tpu.memory_space<hbm>> -> memref<100000x128xi32, #tpu.memory_space<hbm>>
        tpu.wait_indirect_dma semaphore(%arg11 : memref<!tpu.dma_semaphore, #tpu.memory_space<semaphore_mem>>) src(%dma_wait3A_55 : memref<100000x128xi32, #tpu.memory_space<hbm>>) dst(%arg7 : memref<200x128xi32, #tpu.memory_space<vmem>>)
        %ge3A = arith.constant 2 : i32
        %ge3A_56 = arith.cmpi sge, %scan3A_33, %ge3A : i32
        %convert_element_type3A_57 = arith.extui %ge3A_56 : i1 to i32
        %cond3A_58 = arith.constant 0 : i32
        %cond3A_59 = arith.cmpi ne, %convert_element_type3A_57, %cond3A_58 : i32
        scf.if %cond3A_59 {
          %sub3A = arith.constant 2 : i32
          %sub3A_73 = arith.subi %scan3A_33, %sub3A : i32
          %mul3A_74 = arith.constant 1 : i32
          %mul3A_75 = arith.muli %sub3A_73, %mul3A_74 : i32
          %add3A_76 = arith.addi %mul3A_4, %mul3A_75 : i32
          %dma_wait3A_77 = tpu.memref_bitcast %arg4 : memref<1024x200x128xbf16, #tpu.memory_space<hbm>> -> memref<1024x100x128xi32, #tpu.memory_space<hbm>>
          %dma_wait3A_78 = arith.constant 0 : i32
          %dma_wait3A_79 = arith.constant 0 : i32
          %dma_wait3A_80 = tpu.memref_slice %dma_wait3A_77[%add3A_76, %dma_wait3A_78, %dma_wait3A_79] : memref<1024x100x128xi32, #tpu.memory_space<hbm>> -> memref<1x100x128xi32, #tpu.memory_space<hbm>>
          %dma_wait3A_81 = tpu.memref_bitcast %arg4 : memref<1024x200x128xbf16, #tpu.memory_space<hbm>> -> memref<1024x100x128xi32, #tpu.memory_space<hbm>>
          %dma_wait3A_82 = arith.constant 0 : i32
          %dma_wait3A_83 = arith.constant 0 : i32
          %dma_wait3A_84 = tpu.memref_slice %dma_wait3A_81[%add3A_76, %dma_wait3A_82, %dma_wait3A_83] : memref<1024x100x128xi32, #tpu.memory_space<hbm>> -> memref<1x100x128xi32, #tpu.memory_space<hbm>>
          tpu.wait_dma2 semaphore(%arg13 : memref<!tpu.dma_semaphore, #tpu.memory_space<semaphore_mem>>) src(%arg9 : memref<1x100x128xi32, #tpu.memory_space<vmem>>) dst(%dma_wait3A_84 : memref<1x100x128xi32, #tpu.memory_space<hbm>>)
        } else {
        }
        %parallel_loop3A = arith.constant 0 : i32
        %parallel_loop3A_60 = arith.constant 100 : i32
        %parallel_loop3A_61 = arith.constant 1 : i32
        scf.for %parallel_loop3A_73 = %parallel_loop3A to %parallel_loop3A_60 step %parallel_loop3A_61  : i32 {
          %parallel_loop3A_74 = arith.constant 2 : i32
          %parallel_loop3A_75 = arith.muli %parallel_loop3A_74, %parallel_loop3A_73 : i32
          %parallel_loop3A_76 = arith.index_cast %parallel_loop3A_75 : i32 to index
          %parallel_loop3A_77 = arith.constant 0 : index
          %parallel_loop3A_78 = tpu.vector_load %arg7[%parallel_loop3A_76, %parallel_loop3A_77] {strides = array<i32>} : memref<200x128xi32, #tpu.memory_space<vmem>>, vector<16xi32>,
          %parallel_loop3A_79 = arith.constant 2 : i32
          %parallel_loop3A_80 = arith.muli %parallel_loop3A_79, %parallel_loop3A_73 : i32
          %parallel_loop3A_81 = arith.constant 1 : i32
          %parallel_loop3A_82 = arith.addi %parallel_loop3A_80, %parallel_loop3A_81 : i32
          %parallel_loop3A_83 = arith.index_cast %parallel_loop3A_82 : i32 to index
          %parallel_loop3A_84 = arith.constant 0 : index
          %parallel_loop3A_85 = tpu.vector_load %arg7[%parallel_loop3A_83, %parallel_loop3A_84] {strides = array<i32>} : memref<200x128xi32, #tpu.memory_space<vmem>>, vector<16xi32>,
          %parallel_loop3A_86 = vector.broadcast %scan3A : i32 to vector<16xi32>
          %parallel_loop3A_87 = arith.andi %parallel_loop3A_78, %parallel_loop3A_86 : vector<16xi32>
          %parallel_loop3A_88 = arith.constant 16 : i32
          %parallel_loop3A_89 = vector.broadcast %parallel_loop3A_88 : i32 to vector<16xi32>
          %parallel_loop3A_90 = arith.shli %parallel_loop3A_85, %parallel_loop3A_89 : vector<16xi32>
          %parallel_loop3A_91 = arith.ori %parallel_loop3A_87, %parallel_loop3A_90 : vector<16xi32>
          %parallel_loop3A_92 = arith.constant 0 : i32
          %parallel_loop3A_93 = arith.index_cast %parallel_loop3A_92 : i32 to index
          %parallel_loop3A_94 = arith.index_cast %parallel_loop3A_73 : i32 to index
          %parallel_loop3A_95 = arith.constant 0 : index
          %parallel_loop3A_96 = tpu.vector_load %arg9[%parallel_loop3A_93, %parallel_loop3A_94, %parallel_loop3A_95] {strides = array<i32>} : memref<1x100x128xi32, #tpu.memory_space<vmem>>, vector<16xi32>,
          tpu.vector_store %arg9[%parallel_loop3A_93, %parallel_loop3A_94, %parallel_loop3A_95], %parallel_loop3A_91 {strides = array<i32>} : memref<1x100x128xi32, #tpu.memory_space<vmem>>, vector<16xi32>,
          %parallel_loop3A_97 = arith.constant 2 : i32
          %parallel_loop3A_98 = arith.muli %parallel_loop3A_97, %parallel_loop3A_73 : i32
          %parallel_loop3A_99 = arith.index_cast %parallel_loop3A_98 : i32 to index
          %parallel_loop3A_100 = arith.constant 16 : index
          %parallel_loop3A_101 = tpu.vector_load %arg7[%parallel_loop3A_99, %parallel_loop3A_100] {strides = array<i32>} : memref<200x128xi32, #tpu.memory_space<vmem>>, vector<16xi32>,
          %parallel_loop3A_102 = arith.constant 2 : i32
          %parallel_loop3A_103 = arith.muli %parallel_loop3A_102, %parallel_loop3A_73 : i32
          %parallel_loop3A_104 = arith.constant 1 : i32
          %parallel_loop3A_105 = arith.addi %parallel_loop3A_103, %parallel_loop3A_104 : i32
          %parallel_loop3A_106 = arith.index_cast %parallel_loop3A_105 : i32 to index
          %parallel_loop3A_107 = arith.constant 16 : index
          %parallel_loop3A_108 = tpu.vector_load %arg7[%parallel_loop3A_106, %parallel_loop3A_107] {strides = array<i32>} : memref<200x128xi32, #tpu.memory_space<vmem>>, vector<16xi32>,
          %parallel_loop3A_109 = vector.broadcast %scan3A : i32 to vector<16xi32>
          %parallel_loop3A_110 = arith.andi %parallel_loop3A_101, %parallel_loop3A_109 : vector<16xi32>
          %parallel_loop3A_111 = arith.constant 16 : i32
          %parallel_loop3A_112 = vector.broadcast %parallel_loop3A_111 : i32 to vector<16xi32>
          %parallel_loop3A_113 = arith.shli %parallel_loop3A_108, %parallel_loop3A_112 : vector<16xi32>
          %parallel_loop3A_114 = arith.ori %parallel_loop3A_110, %parallel_loop3A_113 : vector<16xi32>
          %parallel_loop3A_115 = arith.constant 0 : i32
          %parallel_loop3A_116 = arith.index_cast %parallel_loop3A_115 : i32 to index
          %parallel_loop3A_117 = arith.index_cast %parallel_loop3A_73 : i32 to index
          %parallel_loop3A_118 = arith.constant 16 : index
          %parallel_loop3A_119 = tpu.vector_load %arg9[%parallel_loop3A_116, %parallel_loop3A_117, %parallel_loop3A_118] {strides = array<i32>} : memref<1x100x128xi32, #tpu.memory_space<vmem>>, vector<16xi32>,
          tpu.vector_store %arg9[%parallel_loop3A_116, %parallel_loop3A_117, %parallel_loop3A_118], %parallel_loop3A_114 {strides = array<i32>} : memref<1x100x128xi32, #tpu.memory_space<vmem>>, vector<16xi32>,
          %parallel_loop3A_120 = arith.constant 2 : i32
          %parallel_loop3A_121 = arith.muli %parallel_loop3A_120, %parallel_loop3A_73 : i32
          %parallel_loop3A_122 = arith.index_cast %parallel_loop3A_121 : i32 to index
          %parallel_loop3A_123 = arith.constant 32 : index
          %parallel_loop3A_124 = tpu.vector_load %arg7[%parallel_loop3A_122, %parallel_loop3A_123] {strides = array<i32>} : memref<200x128xi32, #tpu.memory_space<vmem>>, vector<16xi32>,
          %parallel_loop3A_125 = arith.constant 2 : i32
          %parallel_loop3A_126 = arith.muli %parallel_loop3A_125, %parallel_loop3A_73 : i32
          %parallel_loop3A_127 = arith.constant 1 : i32
          %parallel_loop3A_128 = arith.addi %parallel_loop3A_126, %parallel_loop3A_127 : i32
          %parallel_loop3A_129 = arith.index_cast %parallel_loop3A_128 : i32 to index
          %parallel_loop3A_130 = arith.constant 32 : index
          %parallel_loop3A_131 = tpu.vector_load %arg7[%parallel_loop3A_129, %parallel_loop3A_130] {strides = array<i32>} : memref<200x128xi32, #tpu.memory_space<vmem>>, vector<16xi32>,
          %parallel_loop3A_132 = vector.broadcast %scan3A : i32 to vector<16xi32>
          %parallel_loop3A_133 = arith.andi %parallel_loop3A_124, %parallel_loop3A_132 : vector<16xi32>
          %parallel_loop3A_134 = arith.constant 16 : i32
          %parallel_loop3A_135 = vector.broadcast %parallel_loop3A_134 : i32 to vector<16xi32>
          %parallel_loop3A_136 = arith.shli %parallel_loop3A_131, %parallel_loop3A_135 : vector<16xi32>
          %parallel_loop3A_137 = arith.ori %parallel_loop3A_133, %parallel_loop3A_136 : vector<16xi32>
          %parallel_loop3A_138 = arith.constant 0 : i32
          %parallel_loop3A_139 = arith.index_cast %parallel_loop3A_138 : i32 to index
          %parallel_loop3A_140 = arith.index_cast %parallel_loop3A_73 : i32 to index
          %parallel_loop3A_141 = arith.constant 32 : index
          %parallel_loop3A_142 = tpu.vector_load %arg9[%parallel_loop3A_139, %parallel_loop3A_140, %parallel_loop3A_141] {strides = array<i32>} : memref<1x100x128xi32, #tpu.memory_space<vmem>>, vector<16xi32>,
          tpu.vector_store %arg9[%parallel_loop3A_139, %parallel_loop3A_140, %parallel_loop3A_141], %parallel_loop3A_137 {strides = array<i32>} : memref<1x100x128xi32, #tpu.memory_space<vmem>>, vector<16xi32>,
          %parallel_loop3A_143 = arith.constant 2 : i32
          %parallel_loop3A_144 = arith.muli %parallel_loop3A_143, %parallel_loop3A_73 : i32
          %parallel_loop3A_145 = arith.index_cast %parallel_loop3A_144 : i32 to index
          %parallel_loop3A_146 = arith.constant 48 : index
          %parallel_loop3A_147 = tpu.vector_load %arg7[%parallel_loop3A_145, %parallel_loop3A_146] {strides = array<i32>} : memref<200x128xi32, #tpu.memory_space<vmem>>, vector<16xi32>,
          %parallel_loop3A_148 = arith.constant 2 : i32
          %parallel_loop3A_149 = arith.muli %parallel_loop3A_148, %parallel_loop3A_73 : i32
          %parallel_loop3A_150 = arith.constant 1 : i32
          %parallel_loop3A_151 = arith.addi %parallel_loop3A_149, %parallel_loop3A_150 : i32
          %parallel_loop3A_152 = arith.index_cast %parallel_loop3A_151 : i32 to index
          %parallel_loop3A_153 = arith.constant 48 : index
          %parallel_loop3A_154 = tpu.vector_load %arg7[%parallel_loop3A_152, %parallel_loop3A_153] {strides = array<i32>} : memref<200x128xi32, #tpu.memory_space<vmem>>, vector<16xi32>,
          %parallel_loop3A_155 = vector.broadcast %scan3A : i32 to vector<16xi32>
          %parallel_loop3A_156 = arith.andi %parallel_loop3A_147, %parallel_loop3A_155 : vector<16xi32>
          %parallel_loop3A_157 = arith.constant 16 : i32
          %parallel_loop3A_158 = vector.broadcast %parallel_loop3A_157 : i32 to vector<16xi32>
          %parallel_loop3A_159 = arith.shli %parallel_loop3A_154, %parallel_loop3A_158 : vector<16xi32>
          %parallel_loop3A_160 = arith.ori %parallel_loop3A_156, %parallel_loop3A_159 : vector<16xi32>
          %parallel_loop3A_161 = arith.constant 0 : i32
          %parallel_loop3A_162 = arith.index_cast %parallel_loop3A_161 : i32 to index
          %parallel_loop3A_163 = arith.index_cast %parallel_loop3A_73 : i32 to index
          %parallel_loop3A_164 = arith.constant 48 : index
          %parallel_loop3A_165 = tpu.vector_load %arg9[%parallel_loop3A_162, %parallel_loop3A_163, %parallel_loop3A_164] {strides = array<i32>} : memref<1x100x128xi32, #tpu.memory_space<vmem>>, vector<16xi32>,
          tpu.vector_store %arg9[%parallel_loop3A_162, %parallel_loop3A_163, %parallel_loop3A_164], %parallel_loop3A_160 {strides = array<i32>} : memref<1x100x128xi32, #tpu.memory_space<vmem>>, vector<16xi32>,
          %parallel_loop3A_166 = arith.constant 2 : i32
          %parallel_loop3A_167 = arith.muli %parallel_loop3A_166, %parallel_loop3A_73 : i32
          %parallel_loop3A_168 = arith.index_cast %parallel_loop3A_167 : i32 to index
          %parallel_loop3A_169 = arith.constant 64 : index
          %parallel_loop3A_170 = tpu.vector_load %arg7[%parallel_loop3A_168, %parallel_loop3A_169] {strides = array<i32>} : memref<200x128xi32, #tpu.memory_space<vmem>>, vector<16xi32>,
          %parallel_loop3A_171 = arith.constant 2 : i32
          %parallel_loop3A_172 = arith.muli %parallel_loop3A_171, %parallel_loop3A_73 : i32
          %parallel_loop3A_173 = arith.constant 1 : i32
          %parallel_loop3A_174 = arith.addi %parallel_loop3A_172, %parallel_loop3A_173 : i32
          %parallel_loop3A_175 = arith.index_cast %parallel_loop3A_174 : i32 to index
          %parallel_loop3A_176 = arith.constant 64 : index
          %parallel_loop3A_177 = tpu.vector_load %arg7[%parallel_loop3A_175, %parallel_loop3A_176] {strides = array<i32>} : memref<200x128xi32, #tpu.memory_space<vmem>>, vector<16xi32>,
          %parallel_loop3A_178 = vector.broadcast %scan3A : i32 to vector<16xi32>
          %parallel_loop3A_179 = arith.andi %parallel_loop3A_170, %parallel_loop3A_178 : vector<16xi32>
          %parallel_loop3A_180 = arith.constant 16 : i32
          %parallel_loop3A_181 = vector.broadcast %parallel_loop3A_180 : i32 to vector<16xi32>
          %parallel_loop3A_182 = arith.shli %parallel_loop3A_177, %parallel_loop3A_181 : vector<16xi32>
          %parallel_loop3A_183 = arith.ori %parallel_loop3A_179, %parallel_loop3A_182 : vector<16xi32>
          %parallel_loop3A_184 = arith.constant 0 : i32
          %parallel_loop3A_185 = arith.index_cast %parallel_loop3A_184 : i32 to index
          %parallel_loop3A_186 = arith.index_cast %parallel_loop3A_73 : i32 to index
          %parallel_loop3A_187 = arith.constant 64 : index
          %parallel_loop3A_188 = tpu.vector_load %arg9[%parallel_loop3A_185, %parallel_loop3A_186, %parallel_loop3A_187] {strides = array<i32>} : memref<1x100x128xi32, #tpu.memory_space<vmem>>, vector<16xi32>,
          tpu.vector_store %arg9[%parallel_loop3A_185, %parallel_loop3A_186, %parallel_loop3A_187], %parallel_loop3A_183 {strides = array<i32>} : memref<1x100x128xi32, #tpu.memory_space<vmem>>, vector<16xi32>,
          %parallel_loop3A_189 = arith.constant 2 : i32
          %parallel_loop3A_190 = arith.muli %parallel_loop3A_189, %parallel_loop3A_73 : i32
          %parallel_loop3A_191 = arith.index_cast %parallel_loop3A_190 : i32 to index
          %parallel_loop3A_192 = arith.constant 80 : index
          %parallel_loop3A_193 = tpu.vector_load %arg7[%parallel_loop3A_191, %parallel_loop3A_192] {strides = array<i32>} : memref<200x128xi32, #tpu.memory_space<vmem>>, vector<16xi32>,
          %parallel_loop3A_194 = arith.constant 2 : i32
          %parallel_loop3A_195 = arith.muli %parallel_loop3A_194, %parallel_loop3A_73 : i32
          %parallel_loop3A_196 = arith.constant 1 : i32
          %parallel_loop3A_197 = arith.addi %parallel_loop3A_195, %parallel_loop3A_196 : i32
          %parallel_loop3A_198 = arith.index_cast %parallel_loop3A_197 : i32 to index
          %parallel_loop3A_199 = arith.constant 80 : index
          %parallel_loop3A_200 = tpu.vector_load %arg7[%parallel_loop3A_198, %parallel_loop3A_199] {strides = array<i32>} : memref<200x128xi32, #tpu.memory_space<vmem>>, vector<16xi32>,
          %parallel_loop3A_201 = vector.broadcast %scan3A : i32 to vector<16xi32>
          %parallel_loop3A_202 = arith.andi %parallel_loop3A_193, %parallel_loop3A_201 : vector<16xi32>
          %parallel_loop3A_203 = arith.constant 16 : i32
          %parallel_loop3A_204 = vector.broadcast %parallel_loop3A_203 : i32 to vector<16xi32>
          %parallel_loop3A_205 = arith.shli %parallel_loop3A_200, %parallel_loop3A_204 : vector<16xi32>
          %parallel_loop3A_206 = arith.ori %parallel_loop3A_202, %parallel_loop3A_205 : vector<16xi32>
          %parallel_loop3A_207 = arith.constant 0 : i32
          %parallel_loop3A_208 = arith.index_cast %parallel_loop3A_207 : i32 to index
          %parallel_loop3A_209 = arith.index_cast %parallel_loop3A_73 : i32 to index
          %parallel_loop3A_210 = arith.constant 80 : index
          %parallel_loop3A_211 = tpu.vector_load %arg9[%parallel_loop3A_208, %parallel_loop3A_209, %parallel_loop3A_210] {strides = array<i32>} : memref<1x100x128xi32, #tpu.memory_space<vmem>>, vector<16xi32>,
          tpu.vector_store %arg9[%parallel_loop3A_208, %parallel_loop3A_209, %parallel_loop3A_210], %parallel_loop3A_206 {strides = array<i32>} : memref<1x100x128xi32, #tpu.memory_space<vmem>>, vector<16xi32>,
          %parallel_loop3A_212 = arith.constant 2 : i32
          %parallel_loop3A_213 = arith.muli %parallel_loop3A_212, %parallel_loop3A_73 : i32
          %parallel_loop3A_214 = arith.index_cast %parallel_loop3A_213 : i32 to index
          %parallel_loop3A_215 = arith.constant 96 : index
          %parallel_loop3A_216 = tpu.vector_load %arg7[%parallel_loop3A_214, %parallel_loop3A_215] {strides = array<i32>} : memref<200x128xi32, #tpu.memory_space<vmem>>, vector<16xi32>,
          %parallel_loop3A_217 = arith.constant 2 : i32
          %parallel_loop3A_218 = arith.muli %parallel_loop3A_217, %parallel_loop3A_73 : i32
          %parallel_loop3A_219 = arith.constant 1 : i32
          %parallel_loop3A_220 = arith.addi %parallel_loop3A_218, %parallel_loop3A_219 : i32
          %parallel_loop3A_221 = arith.index_cast %parallel_loop3A_220 : i32 to index
          %parallel_loop3A_222 = arith.constant 96 : index
          %parallel_loop3A_223 = tpu.vector_load %arg7[%parallel_loop3A_221, %parallel_loop3A_222] {strides = array<i32>} : memref<200x128xi32, #tpu.memory_space<vmem>>, vector<16xi32>,
          %parallel_loop3A_224 = vector.broadcast %scan3A : i32 to vector<16xi32>
          %parallel_loop3A_225 = arith.andi %parallel_loop3A_216, %parallel_loop3A_224 : vector<16xi32>
          %parallel_loop3A_226 = arith.constant 16 : i32
          %parallel_loop3A_227 = vector.broadcast %parallel_loop3A_226 : i32 to vector<16xi32>
          %parallel_loop3A_228 = arith.shli %parallel_loop3A_223, %parallel_loop3A_227 : vector<16xi32>
          %parallel_loop3A_229 = arith.ori %parallel_loop3A_225, %parallel_loop3A_228 : vector<16xi32>
          %parallel_loop3A_230 = arith.constant 0 : i32
          %parallel_loop3A_231 = arith.index_cast %parallel_loop3A_230 : i32 to index
          %parallel_loop3A_232 = arith.index_cast %parallel_loop3A_73 : i32 to index
          %parallel_loop3A_233 = arith.constant 96 : index
          %parallel_loop3A_234 = tpu.vector_load %arg9[%parallel_loop3A_231, %parallel_loop3A_232, %parallel_loop3A_233] {strides = array<i32>} : memref<1x100x128xi32, #tpu.memory_space<vmem>>, vector<16xi32>,
          tpu.vector_store %arg9[%parallel_loop3A_231, %parallel_loop3A_232, %parallel_loop3A_233], %parallel_loop3A_229 {strides = array<i32>} : memref<1x100x128xi32, #tpu.memory_space<vmem>>, vector<16xi32>,
          %parallel_loop3A_235 = arith.constant 2 : i32
          %parallel_loop3A_236 = arith.muli %parallel_loop3A_235, %parallel_loop3A_73 : i32
          %parallel_loop3A_237 = arith.index_cast %parallel_loop3A_236 : i32 to index
          %parallel_loop3A_238 = arith.constant 112 : index
          %parallel_loop3A_239 = tpu.vector_load %arg7[%parallel_loop3A_237, %parallel_loop3A_238] {strides = array<i32>} : memref<200x128xi32, #tpu.memory_space<vmem>>, vector<16xi32>,
          %parallel_loop3A_240 = arith.constant 2 : i32
          %parallel_loop3A_241 = arith.muli %parallel_loop3A_240, %parallel_loop3A_73 : i32
          %parallel_loop3A_242 = arith.constant 1 : i32
          %parallel_loop3A_243 = arith.addi %parallel_loop3A_241, %parallel_loop3A_242 : i32
          %parallel_loop3A_244 = arith.index_cast %parallel_loop3A_243 : i32 to index
          %parallel_loop3A_245 = arith.constant 112 : index
          %parallel_loop3A_246 = tpu.vector_load %arg7[%parallel_loop3A_244, %parallel_loop3A_245] {strides = array<i32>} : memref<200x128xi32, #tpu.memory_space<vmem>>, vector<16xi32>,
          %parallel_loop3A_247 = vector.broadcast %scan3A : i32 to vector<16xi32>
          %parallel_loop3A_248 = arith.andi %parallel_loop3A_239, %parallel_loop3A_247 : vector<16xi32>
          %parallel_loop3A_249 = arith.constant 16 : i32
          %parallel_loop3A_250 = vector.broadcast %parallel_loop3A_249 : i32 to vector<16xi32>
          %parallel_loop3A_251 = arith.shli %parallel_loop3A_246, %parallel_loop3A_250 : vector<16xi32>
          %parallel_loop3A_252 = arith.ori %parallel_loop3A_248, %parallel_loop3A_251 : vector<16xi32>
          %parallel_loop3A_253 = arith.constant 0 : i32
          %parallel_loop3A_254 = arith.index_cast %parallel_loop3A_253 : i32 to index
          %parallel_loop3A_255 = arith.index_cast %parallel_loop3A_73 : i32 to index
          %parallel_loop3A_256 = arith.constant 112 : index
          %parallel_loop3A_257 = tpu.vector_load %arg9[%parallel_loop3A_254, %parallel_loop3A_255, %parallel_loop3A_256] {strides = array<i32>} : memref<1x100x128xi32, #tpu.memory_space<vmem>>, vector<16xi32>,
          tpu.vector_store %arg9[%parallel_loop3A_254, %parallel_loop3A_255, %parallel_loop3A_256], %parallel_loop3A_252 {strides = array<i32>} : memref<1x100x128xi32, #tpu.memory_space<vmem>>, vector<16xi32>,
        } {sc.loop_unroll_factor = 4 : i64, sc.parallel_access}
        %mul3A_62 = arith.constant 1 : i32
        %mul3A_63 = arith.muli %scan3A_33, %mul3A_62 : i32
        %add3A_64 = arith.addi %mul3A_4, %mul3A_63 : i32
        %dma_start3A_65 = tpu.memref_bitcast %arg4 : memref<1024x200x128xbf16, #tpu.memory_space<hbm>> -> memref<1024x100x128xi32, #tpu.memory_space<hbm>>
        %dma_start3A_66 = arith.constant 0 : i32
        %dma_start3A_67 = arith.constant 0 : i32
        %dma_start3A_68 = tpu.memref_slice %dma_start3A_65[%add3A_64, %dma_start3A_66, %dma_start3A_67] : memref<1024x100x128xi32, #tpu.memory_space<hbm>> -> memref<1x100x128xi32, #tpu.memory_space<hbm>>
        %dma_start3A_69 = tpu.memref_bitcast %arg4 : memref<1024x200x128xbf16, #tpu.memory_space<hbm>> -> memref<1024x100x128xi32, #tpu.memory_space<hbm>>
        %dma_start3A_70 = arith.constant 0 : i32
        %dma_start3A_71 = arith.constant 0 : i32
        %dma_start3A_72 = tpu.memref_slice %dma_start3A_69[%add3A_64, %dma_start3A_70, %dma_start3A_71] : memref<1024x100x128xi32, #tpu.memory_space<hbm>> -> memref<1x100x128xi32, #tpu.memory_space<hbm>>
        tpu.enqueue_dma source(%arg9 : memref<1x100x128xi32, #tpu.memory_space<vmem>>) target(%dma_start3A_72 : memref<1x100x128xi32, #tpu.memory_space<hbm>>) target_semaphore(%arg13 : memref<!tpu.dma_semaphore, #tpu.memory_space<semaphore_mem>>)
      } else {
      }
    }
    %scan3A_13 = arith.constant 32 : i32
    %add3A_14 = arith.constant 30 : i32
    %add3A_15 = arith.addi %mul3A_4, %add3A_14 : i32
    %dma_wait3A = tpu.memref_bitcast %arg4 : memref<1024x200x128xbf16, #tpu.memory_space<hbm>> -> memref<1024x100x128xi32, #tpu.memory_space<hbm>>
    %dma_wait3A_16 = arith.constant 0 : i32
    %dma_wait3A_17 = arith.constant 0 : i32
    %dma_wait3A_18 = tpu.memref_slice %dma_wait3A[%add3A_15, %dma_wait3A_16, %dma_wait3A_17] : memref<1024x100x128xi32, #tpu.memory_space<hbm>> -> memref<1x100x128xi32, #tpu.memory_space<hbm>>
    %dma_wait3A_19 = tpu.memref_bitcast %arg4 : memref<1024x200x128xbf16, #tpu.memory_space<hbm>> -> memref<1024x100x128xi32, #tpu.memory_space<hbm>>
    %dma_wait3A_20 = arith.constant 0 : i32
    %dma_wait3A_21 = arith.constant 0 : i32
    %dma_wait3A_22 = tpu.memref_slice %dma_wait3A_19[%add3A_15, %dma_wait3A_20, %dma_wait3A_21] : memref<1024x100x128xi32, #tpu.memory_space<hbm>> -> memref<1x100x128xi32, #tpu.memory_space<hbm>>
    tpu.wait_dma2 semaphore(%arg12 : memref<!tpu.dma_semaphore, #tpu.memory_space<semaphore_mem>>) src(%arg8 : memref<1x100x128xi32, #tpu.memory_space<vmem>>) dst(%dma_wait3A_22 : memref<1x100x128xi32, #tpu.memory_space<hbm>>)
    %add3A_23 = arith.constant 31 : i32
    %add3A_24 = arith.addi %mul3A_4, %add3A_23 : i32
    %dma_wait3A_25 = tpu.memref_bitcast %arg4 : memref<1024x200x128xbf16, #tpu.memory_space<hbm>> -> memref<1024x100x128xi32, #tpu.memory_space<hbm>>
    %dma_wait3A_26 = arith.constant 0 : i32
    %dma_wait3A_27 = arith.constant 0 : i32
    %dma_wait3A_28 = tpu.memref_slice %dma_wait3A_25[%add3A_24, %dma_wait3A_26, %dma_wait3A_27] : memref<1024x100x128xi32, #tpu.memory_space<hbm>> -> memref<1x100x128xi32, #tpu.memory_space<hbm>>
    %dma_wait3A_29 = tpu.memref_bitcast %arg4 : memref<1024x200x128xbf16, #tpu.memory_space<hbm>> -> memref<1024x100x128xi32, #tpu.memory_space<hbm>>
    %dma_wait3A_30 = arith.constant 0 : i32
    %dma_wait3A_31 = arith.constant 0 : i32
    %dma_wait3A_32 = tpu.memref_slice %dma_wait3A_29[%add3A_24, %dma_wait3A_30, %dma_wait3A_31] : memref<1024x100x128xi32, #tpu.memory_space<hbm>> -> memref<1x100x128xi32, #tpu.memory_space<hbm>>
    tpu.wait_dma2 semaphore(%arg13 : memref<!tpu.dma_semaphore, #tpu.memory_space<semaphore_mem>>) src(%arg9 : memref<1x100x128xi32, #tpu.memory_space<vmem>>) dst(%dma_wait3A_32 : memref<1x100x128xi32, #tpu.memory_space<hbm>>)
    return
  }
}

module attributes {stable_mosaic.version = 14 : i64} {
  func.func @_dequant_body(%arg0: i32, %arg1: memref<4000x128xi8, #tpu.memory_space<vmem>>, %arg2: memref<1x128xbf16, #tpu.memory_space<vmem>>, %arg3: memref<4000x128xi32, #tpu.memory_space<vmem>>) attributes {dimension_semantics = [#tpu.dimension_semantics<arbitrary>], iteration_bounds = array<i64: 25>, scalar_prefetch = 0 : i64, scratch_operands = 0 : i64, tpu.core_type = #tpu.core_type<tc>, window_params = [{transform_indices = @transform_0, window_bounds = array<i64: 4000, 128>}, {pipeline_mode = #tpu.pipeline_mode<synchronous>, transform_indices = @transform_1, window_bounds = array<i64: 1, 128>}, {transform_indices = @transform_2, window_bounds = array<i64: 4000, 128>}]} {
    %get3A = arith.constant 0 : index
    %get3A_0 = arith.constant 0 : index
    %get3A_1 = vector.load %arg1[%get3A, %get3A_0] : memref<4000x128xi8, #tpu.memory_space<vmem>>, vector<4000x128xi8>
    %convert_element_type3A = arith.sitofp %get3A_1 : vector<4000x128xi8> to vector<4000x128xbf16>
    %get3A_2 = arith.constant 0 : index
    %get3A_3 = arith.constant 0 : index
    %get3A_4 = vector.load %arg2[%get3A_2, %get3A_3] : memref<1x128xbf16, #tpu.memory_space<vmem>>, vector<1x128xbf16>
    %mul3A = vector.broadcast %get3A_4 : vector<1x128xbf16> to vector<4000x128xbf16>
    %mul3A_5 = arith.mulf %convert_element_type3A, %mul3A : vector<4000x128xbf16>
    %bitcast3A = tpu.bitcast %mul3A_5 : vector<4000x128xbf16> -> vector<4000x128xi16>
    %convert_element_type3A_6 = arith.extui %bitcast3A : vector<4000x128xi16> to vector<4000x128xi32>
    %shift_left3A = arith.constant 16 : i32
    %shift_left3A_7 = vector.broadcast %shift_left3A : i32 to vector<4000x128xi32>
    %shift_left3A_8 = arith.shli %convert_element_type3A_6, %shift_left3A_7 : vector<4000x128xi32>
    %or3A = arith.ori %convert_element_type3A_6, %shift_left3A_8 : vector<4000x128xi32>
    %swap3A = arith.constant 0 : index
    %swap3A_9 = arith.constant 0 : index
    %swap3A_10 = vector.load %arg3[%swap3A, %swap3A_9] : memref<4000x128xi32, #tpu.memory_space<vmem>>, vector<4000x128xi32>
    tpu.vector_store %arg3[%swap3A, %swap3A_9], %or3A {strides = array<i32>} : memref<4000x128xi32, #tpu.memory_space<vmem>>, vector<4000x128xi32>,
    return
  }
  func.func @transform_0(%arg0: i32) -> (i32, i32) {
    %c0_i32 = arith.constant 0 : i32
    %c0_i32_0 = arith.constant 0 : i32
    return %arg0, %c0_i32 : i32, i32
  }
  func.func @transform_1(%arg0: i32) -> (i32, i32) {
    %c0_i32 = arith.constant 0 : i32
    %c0_i32_0 = arith.constant 0 : i32
    %c0_i32_1 = arith.constant 0 : i32
    return %c0_i32, %c0_i32_0 : i32, i32
  }
  func.func @transform_2(%arg0: i32) -> (i32, i32) {
    %c0_i32 = arith.constant 0 : i32
    %c0_i32_0 = arith.constant 0 : i32
    return %arg0, %c0_i32 : i32, i32
  }
}

</mosaic_0001>

<sc_bundles>
// kernel: kernel.4.cloned.1.call-start
scs
__scs_entry_jumppad:
0x0: {  	(pc) =	sbr.rel $0x88, $3  }
0x1: {  	(tag) =	ssettag $0x0;
	lr =	simm.s32 $0x1  }
0x2: {  	[smem:$0x3F9E] =	sst lr;
	_ =	strace $0xD0000000  }
0x3: {  	_ = 	snop  }
0x4: {  	_ = 	snop  }
0x5: {  	_ = 	snop  }
0x6: {  	_ = 	snop  }
0x7: {  	_ = 	snop  }
__scs_overlays_trampoline_lowered:
0x8: {  	[smem:$0x3FAD] =	sst s0  }
0x9: {  	[smem:$0x3FAE] =	sst s1  }
0xa: {  	[smem:$0x3FAF] =	sst s2  }
0xb: {  	[smem:$0x3FB0] =	sst s3  }
0xc: {  	[smem:$0x3FB1] =	sst s4  }
0xd: {  	[smem:$0x3FB2] =	sst s5  }
0xe: {  	[smem:$0x3FB3] =	sst s6  }
0xf: {  	[smem:$0x3FB4] =	sst s7  }
0x10: {  	[smem:$0x3FB5] =	sst s8  }
0x11: {  	[smem:$0x3FB6] =	sst s9;
	s0 =	simm.s32 @!p0 $0x0  }
0x12: {  	s1 =	sld [smem:$0x3F9C];
	s0 =	simm.s32 @p0 $0x1  }
0x13: {  	[smem:$0x3FB7] =	sst s0;
	s0 =	simm.s32 @!p1 $0x0  }
0x14: {  	s2 =	sld [smem:$0x3F9B];
	s0 =	simm.s32 @p1 $0x1  }
0x15: {  	[smem:$0x3FB8] =	sst s0;
	s0 =	simm.s32 @!p2 $0x0  }
0x16: {  	s3 =	sld [smem:$0x3FDB];
	s0 =	simm.s32 @p2 $0x1  }
0x17: {  	s4 =	simm.s32 $0x1BF5;
	[smem:$0x3FBA] =	sst s0  }
0x18: {  	s0 =	sld [smem:$0x3F9D];
	_ =	swait.ge [sflag:s4], $0x0  }
0x19: {  	s7 =	sld [smem:$0x3F9E]  }
0x1a: {  	s8 =	sadd.s32 $0xFFFFE003, lr  }
0x1b: {  	s9 =	sadd.s32 $0xFFFFFEF7, lr;
	s5 =	simm.s32 $0xFFFFFFFF;
	p2 =	slt.u32 s8, $0xFFFFF086  }
0x1c: {  	p1 =	slt.u32 s9, $0xF7A;
	s5 =	simm.s32 @!p2 $0x0  }
0x1d: {  	s5 =	simm.s32 @p1 $0x1;
	p0 =	seq.s32 s7, s2  }
0x1e: {  	s7 =	smul.u32 @!p0 $0xF7A, s2;
	p2 =	seq.s32 @!p0 s5, $0x0  }
0x1f: {  	s9 =	smul.u32 $0xF7A, s1;
	s8 =	simm.s32 @!p0 $0x1BF5;
	p2 =	por !p2, p0  }
0x20: {  	[sflag:s8] =	ssyncset.s32 @!p0 $0xFFFFF086;
	s6 =	sadd.s32 @!p0 s3, s7;
	s7 =	simm.s32 @!p0 $0x108  }
0x21: {  	s3 =	sadd.s32 s3, s9;
	s6 =	sadd.s32 @!p0 $0x88, s6;
	s7 =	simm.s32 @p2 $0x1082  }
0x22: {  	[simem:s7], [sflag:s8] =	dma.local @!p0 [hbm:s6], $0xF7A  }
0x23: {  	s9 =	sor.u32 $0xD0000000, s2;
	s6 =	simm.s32 $0x108;
	_ =	swait.ge @!p0 [sflag:s8], $0x0  }
0x24: {  	s3 =	sadd.s32 $0x88, s3;
	s6 =	simm.s32 @!p1 $0x1082;
	[sflag:s4] =	ssyncset.s32 $0xFFFFF086  }
0x25: {  	[simem:s6], [sflag:s4] =	dma.local [hbm:s3], $0xF7A  }
0x26: {  	[smem:$0x3F9E] =	sst s1;
	(tag) =	ssettag s2;
	_ =	strace s9  }
0x27: {  	s1 =	sld [smem:$0x3FAE]  }
0x28: {  	s2 =	sld [smem:$0x3FAF]  }
0x29: {  	s4 =	sld [smem:$0x3FB1]  }
0x2a: {  	p0 =	seq.s32 s5, $0x0;
	s5 =	sld [smem:$0x3FB2]  }
0x2b: {  	s6 =	sld [smem:$0x3FB3]  }
0x2c: {  	s7 =	sld [smem:$0x3FB4]  }
0x2d: {  	s3 =	simm.s32 $0x108;
	s8 =	sld [smem:$0x3FB5]  }
0x2e: {  	s3 =	simm.s32 @!p0 $0x1082;
	s9 =	sld [smem:$0x3FB6]  }
0x2f: {  	lr =	sadd.s32 s0, s3;
	s0 =	sld [smem:$0x3FAD]  }
0x30: {  	s3 =	sld [smem:$0x3FB0]  }
0x31: {  	[smem:$0x3FB9] =	sst s10  }
0x32: {  	s10 =	sld [smem:$0x3FB7];
	_ =	sdelay $0x3  }
0x33: {  	p0 =	seq.s32 s10, $0x1;
	s10 =	sld [smem:$0x3FB9];
	_ =	sdelay $0x3  }
0x34: {  	[smem:$0x3FB9] =	sst s10  }
0x35: {  	s10 =	sld [smem:$0x3FB8];
	_ =	sdelay $0x3  }
0x36: {  	p1 =	seq.s32 s10, $0x1;
	s10 =	sld [smem:$0x3FB9];
	_ =	sdelay $0x3  }
0x37: {  	[smem:$0x3FB9] =	sst s10  }
0x38: {  	s10 =	sld [smem:$0x3FBA]  }
0x39: {  	_ = 	snop;
	(pc) =	sbr.ind lr, $3  }
0x3a: {  	_ = 	snop  }
0x3b: {  	_ = 	snop  }
0x3c: {  	p2 =	seq.s32 s10, $0x1;
	s10 =	sld [smem:$0x3FB9]  }
0x3d: {  	_ =	shalt  }
0x3e: {  	_ =	shalt  }
0x3f: {  	_ =	shalt  }
0x40: {  	_ =	shalt  }
0x41: {  	_ =	shalt  }
0x42: {  	_ =	shalt  }
0x43: {  	_ =	shalt  }
0x44: {  	_ =	shalt  }
0x45: {  	_ =	shalt  }
0x46: {  	_ =	shalt  }
0x47: {  	_ =	shalt  }
0x48: {  	_ =	shalt  }
0x49: {  	_ =	shalt  }
0x4a: {  	_ =	shalt  }
0x4b: {  	_ =	shalt  }
0x4c: {  	_ =	shalt  }
0x4d: {  	_ =	shalt  }
0x4e: {  	_ =	shalt  }
0x4f: {  	_ =	shalt  }
0x50: {  	_ =	shalt  }
0x51: {  	_ =	shalt  }
0x52: {  	_ =	shalt  }
0x53: {  	_ =	shalt  }
0x54: {  	_ =	shalt  }
0x55: {  	_ =	shalt  }
0x56: {  	_ =	shalt  }
0x57: {  	_ =	shalt  }
0x58: {  	_ =	shalt  }
0x59: {  	_ =	shalt  }
0x5a: {  	_ =	shalt  }
0x5b: {  	_ =	shalt  }
0x5c: {  	_ =	shalt  }
0x5d: {  	_ =	shalt  }
0x5e: {  	_ =	shalt  }
0x5f: {  	_ =	shalt  }
0x60: {  	_ =	shalt  }
0x61: {  	_ =	shalt  }
0x62: {  	_ =	shalt  }
0x63: {  	_ =	shalt  }
0x64: {  	_ =	shalt  }
0x65: {  	_ =	shalt  }
0x66: {  	_ =	shalt  }
0x67: {  	_ =	shalt  }
0x68: {  	_ =	shalt  }
0x69: {  	_ =	shalt  }
0x6a: {  	_ =	shalt  }
0x6b: {  	_ =	shalt  }
0x6c: {  	_ =	shalt  }
0x6d: {  	_ =	shalt  }
0x6e: {  	_ =	shalt  }
0x6f: {  	_ =	shalt  }
0x70: {  	_ =	shalt  }
0x71: {  	_ =	shalt  }
0x72: {  	_ =	shalt  }
0x73: {  	_ =	shalt  }
0x74: {  	_ =	shalt  }
0x75: {  	_ =	shalt  }
0x76: {  	_ =	shalt  }
0x77: {  	_ =	shalt  }
0x78: {  	_ =	shalt  }
0x79: {  	_ =	shalt  }
0x7a: {  	_ =	shalt  }
0x7b: {  	_ =	shalt  }
0x7c: {  	_ =	shalt  }
0x7d: {  	_ =	shalt  }
0x7e: {  	_ =	shalt  }
0x7f: {  	_ =	shalt  }
0x80: {  	_ =	shalt  }
0x81: {  	_ =	shalt  }
0x82: {  	_ =	shalt  }
0x83: {  	_ =	shalt  }
0x84: {  	_ =	shalt  }
0x85: {  	_ =	shalt  }
0x86: {  	_ =	shalt  }
0x87: {  	_ =	shalt  }
.Lfunc_end0:
.L_simem_size_0:
called_computation_lowered:
.L_overlay_start_0:
0x88: {  	s2 =	sld [smem:$0x3FD9]  }
0x89: {  	s3 =	sld [smem:$0x3FFE];
	_ =	sdelay $0x1  }
0x8a: {  	s1 =	srdreg.scid  }
0x8b: {  	s0 =	sand.u32 $0x1, s1  }
0x8c: {  	s17 =	sshll.u32 s0, $0xA;
	s2 =	sadd.s32 s3, s2  }
0x8d: {  	s2 =	sadd.s32 s2, s17  }
0x8e: {  	[smem:$0x3FC5] =	sst s2  }
0x8f: {  	_ = 	snop  }
0x90: {  	s2 =	sld [smem:$0x3FD0];
	(tm) =	ssettm $0x1  }
0x91: {  	s18 =	sld [smem:$0x3FFB];
	_ =	sdelay $0x3  }
0x92: {  	_ =	strace s18  }
0x93: {  	s3 =	sld [smem:$0x3FFC];
	_ =	sdelay $0x3  }
0x94: {  	_ =	strace s3  }
0x95: {  	s3 =	sld [smem:$0x3FFD];
	_ =	sdelay $0x3  }
0x96: {  	_ =	strace s3  }
0x97: {  	_ =	strace $0x8FFFFFFF  }
0x98: {  	s19 =	sld [smem:$0x3FDB];
	_ =	sdelay $0x1  }
0x99: {  	s4 =	simm.s32 $_scs_section_size  }
0x9a: {  	s5 =	simm.s32 $_size__tile_overlayer_lowered;
	s6 =	simm.s32 $_tile_overlayer_lowered  }
0x9b: {  	s22 =	simm.s32 $0x1BFF;
	s21 =	sshll.u32 s6, $0x1;
	s3 =	sadd.s32 s4, s19  }
0x9c: {  	s7 =	simm.s32 $0x0;
	s20 =	sshll.u32 s5, $0x1;
	s5 =	sadd.s32 s21, s3  }
0x9d: {  	[timem:s7], [sflag:s22] =	dma.local [hbm:s5], s20  }
0x9e: {  	_ =	swait.ge [sflag:s22], s20  }
0x9f: {  	s4 =	ssub.s32 $0x0, s20;
	[sflag:s22] =	ssyncset.done $0x0  }
0xa0: {  	[sflag:s22] =	ssyncadd.s32 s4;
	_ =	sdelay $0x1  }
0xa1: {  	s23 =	simm.s32 $0x1B8B  }
0xa2: {  	_ =	swait.ge [sflag:s23], $0x1  }
0xa3: {  	[sflag:s23] =	ssyncset.done $0x0  }
0xa4: {  	s25 =	simm.s32 $0x1B8E;
	s24 =	sld [smem:$0x3FFE];
	[sflag:s23] =	ssyncadd.s32 $0xFFFFFFFF  }
0xa5: {  	s26 =	simm.s32 $execute0_lowered;
	[smem:$0x3FD2] =	sst s25  }
0xa6: {  	s5 =	sshll.u32 s26, $0x1;
	_ =	strace $0x80000046;
	[dreg:$0x1] =	wrdreg $0xFFFFFFFF  }
0xa7: {  	s28 =	simm.s32 $_size_execute0_lowered;
	s3 =	sadd.s32 s3, s5;
	[dreg:$0x0] =	wrdreg $0x0  }
0xa8: {  	s5 =	sshll.u32 s28, $0x1;
	[dreg:$0x2] =	wrdreg s3  }
0xa9: {  	[dreg:$0x3] =	wrdreg s5  }
0xaa: {  	[dreg:$0x4] =	wrdreg $0xC0  }
0xab: {  	_ =	task [dreg:s7], $0x5FFFF  }
0xac: {  	[dreg:$0x1] =	wrdreg $0xFFFFFFFF  }
0xad: {  	[dreg:$0x0] =	wrdreg $0x60  }
0xae: {  	[dreg:$0x2] =	wrdreg s24  }
0xaf: {  	[dreg:$0x3] =	wrdreg s2  }
0xb0: {  	[dreg:$0x4] =	wrdreg $0x9  }
0xb1: {  	_ =	task.clear_ibuf [dreg:s7], $0x5FFFF;
	_ =	strace $0x90000046  }
0xb2: {  	s29 =	simm.s32 $0x9;
	_ =	strace $0x80000048  }
0xb3: {  	_ =	swait.ge [sflag:s29], $0x1  }
0xb4: {  	[sflag:s29] =	ssyncadd.s32 $0xFFFFFFFF  }
0xb5: {  	_ =	strace $0x90000048  }
0xb6: {  	_ =	sfence  }
0xb7: {  	s30 =	sld [smem:$0x0];
	_ =	sdelay $0x2  }
0xb8: {  	s31 =	sshll.u32 s1, $0xD;
	s1 =	sshrl.u32 s1, $0x2  }
0xb9: {  	s3 =	sand.u32 $0x4000, s31;
	s1 =	sadd.s32 s1, s30  }
0xba: {  	s0 =	sor.u32 s3, s0;
	s1 =	sshll.u32 s1, $0x11  }
0xbb: {  	s0 =	sor.u32 s1, s0  }
0xbc: {  	s0 =	sadd.s32 $0x8F2B, s0  }
0xbd: {  	[sflag:s0] =	ssyncadd.remote.s32 $0x1  }
0xbe: {  	_ =	sfence.sel $0xFFFF  }
0xbf: {  	[dreg:$0x0] =	wrdreg $0xFFFFFFFF;
	(pc) =	sbr.abs _section_cstart, $3  }
0xc0: {  	[dreg:$0x1] =	wrdreg $0xFFFFFFFF  }
0xc1: {  	_ =	task.clear_ibuf [dreg:s7], $0x2FFFF;
	_ =	strace $0x9FFFFFFF  }
0xc2: {  	(tm) =	ssettm $0x7FFFFFFF  }
0xc3: {  	_ =	shalt  }
tec
execute0_lowered:
.L_overlay_start_1:
0x0: {  	(tag) =	ssettag $0x1  }
0x1: {  	s5 =	rddreg [dreg:$0x0];
	s1 =	srdreg.scid  }
0x2: {  	s0 =	stileid.u32;
	s2 =	rddreg [dreg:$0x1];
	s3 =	simm.s32 $0x0  }
0x3: {  	s9 =	simm.s32 $0xC8;
	s10 =	simm.s32 $0x1900;
	s11 =	simm.s32 $0x2  }
0x4: {  	s12 =	simm.s32 $0x11500;
	s13 =	simm.s32 $0x3;
	s14 =	simm.s32 $0x4  }
0x5: {  	s15 =	simm.s32 $0x7D00;
	s16 =	simm.s32 $0x1;
	s17 =	simm.s32 $0xE100  }
0x6: {  	s18 =	simm.s32 $0x0;
	s4 =	sand.u32 $0x1, s1;
	s6 =	sshll.u32 s0, $0x1  }
.Ltmp0:
0x7: {  	s1 =	rddreg [dreg:$0x2];
	s6 =	sor.u32 s4, s6;
	(pc) =	sbr.rel .LBB2_1-.Ltmp0, $4  }
0x8: {  	[smem:$0x7FF] =	sst s3;
	s8 =	ssub.s32 $0x2, s4;
	s7 =	smul.u32 $0x320, s6  }
0x9: {  	_ =	strace $0x80000047;
	s4 =	sadd.s32 $0x6C00, s5;
	s31 =	sshrl.u32 s8, $0x1  }
0xa: {  	s8 =	ssub.s32 s8, s31;
	s7 =	sadd.s32 s7, s5;
	s5 =	sshll.u32 s6, $0x5  }
0xb: {  	s6 =	sadd.s32 $0x800, s7;
	s7 =	smax.u32 s8, $0x1;
	s8 =	simm.s32 $0x5  }
.LBB2_10:
0xc: {  	s18 =	sadd.s32 $0x1, s18  }
0xd: {  	_ =	swait.ge [sflag:s13], $0x3200;
	p0 =	sne.s32 s18, s7  }
.Ltmp1:
0xe: {  	[sflag:s13] =	ssyncset.done $0x0;
	(pc) =	sbr.rel @!p0 .LBB2_11-.Ltmp1, $4  }
0xf: {  	[sflag:s13] =	ssyncadd.s32 $0xFFFFCE00  }
0x10: {  	_ =	swait.ge [sflag:s14], $0x3200  }
0x11: {  	[sflag:s14] =	ssyncset.done $0x0  }
0x12: {  	[sflag:s14] =	ssyncadd.s32 $0xFFFFCE00  }
.LBB2_1:
0x13: {  	[tilespmem:s3], [sflag:$0x5] =	stream.linear.gather [hbm4b:s6+s3], $0x1900, $0x38;
	[tilespmem:$0x14900] =	vst v63  }
.Ltmp2:
0x14: {  	_ = 	snop;
	(pc) =	sbr.rel .LBB2_2-.Ltmp2, $4  }
0x15: {  	_ =	swait.ge [sflag:s8], $0x1900  }
0x16: {  	[sflag:s8] =	ssyncset.done $0x0  }
0x17: {  	s19 =	simm.s32 $0x0;
	[sflag:s8] =	ssyncadd.s32 $0xFFFFE700  }
0x18: {  	[tilespmem:s10], [sflag:$0x1] =	stream.indirect.gather [hbm4b:s4+s9], $0x80, s3, s9, $0xb8;
	[tilespmem:$0x14900] =	vst v63  }
.LBB2_5:
0x19: {  	v3 =	vshll.u32 v3, $0x10  }
0x1a: {  	v3 =	vor.u32 v5, v3  }
0x1b: {  	[tilespmem:s21+$0x50] =	vst v3  }
0x1c: {  	v3 =	vld [tilespmem:s20+$0x60]  }
0x1d: {  	v52 =	vld [tilespmem:s20+$0xE0]  }
0x1e: {  	[tilespmem:s21+$0xE0] =	vst v6;
	v2 =	vand.u32 $0xFFFF, v2;
	v4 =	vshll.u32 v4, $0x10  }
0x1f: {  	v6 =	vld [tilespmem:s20+$0x170];
	v2 =	vor.u32 v2, v4  }
0x20: {  	v0 =	vand.u32 $0xFFFF, v0;
	v1 =	vshll.u32 v1, $0x10;
	v53 =	vld [tilespmem:s20+$0x1F0];
	[tilespmem:s21+$0xFFFFFF60] =	vst v2  }
0x21: {  	v0 =	vor.u32 v0, v1;
	v54 =	vld [tilespmem:s20+$0xFFFFFE70]  }
0x22: {  	[tilespmem:s21+$0xFFFFFFE0] =	vst v0;
	v57 =	vld [tilespmem:s20+$0xFFFFFEF0];
	v55 =	vand.u32 $0xFFFF, v3;
	v56 =	vshll.u32 v52, $0x10  }
0x23: {  	v58 =	vld [tilespmem:s20+$0xFFFFFF70];
	v0 =	vor.u32 v55, v56  }
0x24: {  	v59 =	vld [tilespmem:s20+$0xFFFFFFF0];
	[tilespmem:s22+$0x60] =	vst v0  }
0x25: {  	v60 =	vld [tilespmem:s20+$0x70]  }
0x26: {  	v7 =	vld [tilespmem:s20+$0xF0];
	_ =	sdelay $0x1  }
0x27: {  	v6 =	vand.u32 $0xFFFF, v6;
	v4 =	vshll.u32 v53, $0x10  }
0x28: {  	v4 =	vor.u32 v6, v4;
	v1 =	vand.u32 $0xFFFF, v54;
	v3 =	vshll.u32 v57, $0x10  }
0x29: {  	s31 =	sadd.s32 s5, s19;
	[tilespmem:s22+$0xF0] =	vst v4;
	v2 =	vand.u32 $0xFFFF, v58;
	v1 =	vor.u32 v1, v3;
	v0 =	vshll.u32 v59, $0x10  }
0x2a: {  	[tilespmem:s22+$0xFFFFFF70] =	vst v1;
	v0 =	vor.u32 v2, v0;
	s20 =	smul.u32 $0x640, s31;
	v61 =	vand.u32 $0xFFFF, v60;
	v62 =	vshll.u32 v7, $0x10  }
0x2b: {  	[tilespmem:s22+$0xFFFFFFF0] =	vst v0;
	v63 =	vor.u32 v61, v62  }
0x2c: {  	s20 =	sadd.s32 s2, s20;
	[tilespmem:s22+$0x70] =	vst v63  }
0x2d: {  	[hbm4b:s20+s3] =	stream.linear.scatter [tilespmem:s17], [sflag:$0x3], $0x3200, $0x38;
	[tilespmem:$0x14900] =	vst v63  }
.LBB2_9:
0x2e: {  	s19 =	sadd.s32 $0x1, s19  }
0x2f: {  	p0 =	sne.s32 s19, $0x20  }
.Ltmp3:
0x30: {  	_ = 	snop;
	(pc) =	sbr.rel @!p0 .LBB2_10-.Ltmp3, $1  }
0x31: {  	_ =	sdelay $0x3  }
.LBB2_2:
0x32: {  	s20 =	sand.u32 $0x1, s19  }
0x33: {  	p0 =	seq.s32 s20, $0x1  }
.Ltmp4:
0x34: {  	_ = 	snop;
	(pc) =	sbr.rel @!p0 .LBB2_3-.Ltmp4, $1  }
0x35: {  	_ =	sdelay $0x3  }
0x36: {  	p0 =	seq.s32 s19, $0x1F  }
0x37: {  	s20 =	smul.u32 @!p0 $0x320, s19;
	_ =	sdelay $0x1  }
0x38: {  	s20 =	sshra.s32 @!p0 s20, $0x2  }
0x39: {  	s21 =	simm.s32 @!p0 $0xC8;
	s22 =	simm.s32 @!p0 $0x1900;
	s20 =	sadd.s32 @!p0 $0xC8, s20  }
0x3a: {  	[tilespmem:s22], [sflag:$0x1] =	stream.indirect.gather @!p0 [hbm4b:s4+s21], $0x80, s20, s21, $0xb8;
	[tilespmem:$0x14900] =	vst v63  }
0x3b: {  	_ =	swait.ge [sflag:s11], $0x6400  }
0x3c: {  	p0 =	slt.u32 s19, $0x2;
	[sflag:s11] =	ssyncset.done $0x0  }
0x3d: {  	s20 =	simm.s32 @!p0 $0x4;
	[sflag:s11] =	ssyncadd.s32 $0xFFFF9C00  }
0x3e: {  	_ =	swait.ge @!p0 [sflag:s20], $0x3200  }
0x3f: {  	[sflag:s20] =	ssyncset.done @!p0 $0x0  }
0x40: {  	[sflag:s20] =	ssyncadd.s32 @!p0 $0xFFFFCE00;
	s20 =	simm.s32 $0x7F00  }
0x41: {  	v0 =	vld [tilespmem:s20+$0x100]  }
0x42: {  	v1 =	vld [tilespmem:s20+$0x180];
	_ =	sdelay $0x2  }
0x43: {  	v2 =	vld [tilespmem:s20+$0xFFFFFF00]  }
0x44: {  	v3 =	vld [tilespmem:s20+$0xFFFFFF80]  }
0x45: {  	v4 =	vld [tilespmem:s20+$0xFFFFFE80];
	v0 =	vand.u32 $0xFFFF, v0;
	v1 =	vshll.u32 v1, $0x10  }
0x46: {  	s21 =	simm.s32 $0x11600;
	v5 =	vld [tilespmem:s20+$0xFFFFFE00];
	v0 =	vor.u32 v0, v1  }
0x47: {  	[tilespmem:s21+$0x80] =	vst v0  }
0x48: {  	v0 =	vld [tilespmem:s20+$0x110]  }
0x49: {  	v1 =	vand.u32 $0xFFFF, v2;
	v2 =	vshll.u32 v3, $0x10;
	v3 =	vld [tilespmem:s20+$0x190]  }
0x4a: {  	v6 =	vld [tilespmem:s20+$0x0];
	v1 =	vor.u32 v1, v2  }
0x4b: {  	v4 =	vshll.u32 v4, $0x10;
	v2 =	vld [tilespmem:s20+$0x80];
	[tilespmem:s21+$0xFFFFFF80] =	vst v1;
	v1 =	vand.u32 $0xFFFF, v5  }
0x4c: {  	v5 =	vld [tilespmem:s20+$0xFFFFFF10];
	v1 =	vor.u32 v1, v4  }
0x4d: {  	v4 =	vld [tilespmem:s20+$0xFFFFFF90];
	[tilespmem:s21+$0xFFFFFF00] =	vst v1  }
0x4e: {  	v1 =	vld [tilespmem:s20+$0xFFFFFE10];
	v0 =	vand.u32 $0xFFFF, v0;
	v3 =	vshll.u32 v3, $0x10  }
0x4f: {  	v7 =	vld [tilespmem:s20+$0xFFFFFE90];
	v0 =	vor.u32 v0, v3  }
0x50: {  	v2 =	vshll.u32 v2, $0x10;
	v3 =	vand.u32 $0xFFFF, v6;
	[tilespmem:s21+$0x90] =	vst v0  }
0x51: {  	v0 =	vor.u32 v3, v2;
	v2 =	vld [tilespmem:s20+$0x120]  }
0x52: {  	v3 =	vshll.u32 v4, $0x10;
	[tilespmem:s21+$0x0] =	vst v0;
	v0 =	vand.u32 $0xFFFF, v5;
	v4 =	vld [tilespmem:s20+$0x1A0]  }
0x53: {  	v5 =	vld [tilespmem:s20+$0x10];
	v0 =	vor.u32 v0, v3  }
0x54: {  	v1 =	vand.u32 $0xFFFF, v1;
	v3 =	vld [tilespmem:s20+$0x90];
	[tilespmem:s21+$0xFFFFFF90] =	vst v0;
	v0 =	vshll.u32 v7, $0x10  }
0x55: {  	v6 =	vld [tilespmem:s20+$0xFFFFFF20];
	v0 =	vor.u32 v1, v0  }
0x56: {  	v1 =	vld [tilespmem:s20+$0xFFFFFFA0];
	[tilespmem:s21+$0xFFFFFF10] =	vst v0  }
0x57: {  	v0 =	vld [tilespmem:s20+$0xFFFFFE20];
	v2 =	vand.u32 $0xFFFF, v2;
	v4 =	vshll.u32 v4, $0x10  }
0x58: {  	v7 =	vld [tilespmem:s20+$0xFFFFFEA0];
	v2 =	vor.u32 v2, v4  }
0x59: {  	v4 =	vand.u32 $0xFFFF, v5;
	v3 =	vshll.u32 v3, $0x10;
	[tilespmem:s21+$0xA0] =	vst v2  }
0x5a: {  	v2 =	vor.u32 v4, v3;
	v3 =	vld [tilespmem:s20+$0x130]  }
0x5b: {  	[tilespmem:s21+$0x10] =	vst v2;
	v2 =	vand.u32 $0xFFFF, v6;
	v1 =	vshll.u32 v1, $0x10;
	v4 =	vld [tilespmem:s20+$0x1B0]  }
0x5c: {  	v5 =	vld [tilespmem:s20+$0x20];
	v1 =	vor.u32 v2, v1  }
0x5d: {  	v0 =	vand.u32 $0xFFFF, v0;
	[tilespmem:s21+$0xFFFFFFA0] =	vst v1;
	v1 =	vld [tilespmem:s20+$0xA0];
	v2 =	vshll.u32 v7, $0x10  }
0x5e: {  	v6 =	vld [tilespmem:s20+$0xFFFFFF30];
	v0 =	vor.u32 v0, v2  }
0x5f: {  	v2 =	vld [tilespmem:s20+$0xFFFFFFB0];
	[tilespmem:s21+$0xFFFFFF20] =	vst v0  }
0x60: {  	v0 =	vld [tilespmem:s20+$0xFFFFFE30];
	v3 =	vand.u32 $0xFFFF, v3;
	v4 =	vshll.u32 v4, $0x10  }
0x61: {  	v7 =	vld [tilespmem:s20+$0xFFFFFEB0];
	v3 =	vor.u32 v3, v4  }
0x62: {  	v4 =	vand.u32 $0xFFFF, v5;
	v1 =	vshll.u32 v1, $0x10;
	[tilespmem:s21+$0xB0] =	vst v3  }
0x63: {  	v1 =	vor.u32 v4, v1;
	v3 =	vld [tilespmem:s20+$0x140]  }
0x64: {  	v4 =	vand.u32 $0xFFFF, v6;
	v2 =	vshll.u32 v2, $0x10;
	[tilespmem:s21+$0x20] =	vst v1;
	v1 =	vld [tilespmem:s20+$0x1C0]  }
0x65: {  	v2 =	vor.u32 v4, v2;
	v4 =	vld [tilespmem:s20+$0x30]  }
0x66: {  	v0 =	vand.u32 $0xFFFF, v0;
	[tilespmem:s21+$0xFFFFFFB0] =	vst v2;
	v2 =	vshll.u32 v7, $0x10;
	v5 =	vld [tilespmem:s20+$0xB0]  }
0x67: {  	v0 =	vor.u32 v0, v2;
	v2 =	vld [tilespmem:s20+$0xFFFFFF40]  }
0x68: {  	[tilespmem:s21+$0xFFFFFF30] =	vst v0;
	v0 =	vld [tilespmem:s20+$0xFFFFFFC0]  }
0x69: {  	v6 =	vld [tilespmem:s20+$0xFFFFFE40];
	v3 =	vand.u32 $0xFFFF, v3;
	v1 =	vshll.u32 v1, $0x10  }
0x6a: {  	v7 =	vld [tilespmem:s20+$0xFFFFFEC0];
	v1 =	vor.u32 v3, v1  }
0x6b: {  	v3 =	vand.u32 $0xFFFF, v4;
	v4 =	vshll.u32 v5, $0x10;
	[tilespmem:s21+$0xC0] =	vst v1  }
0x6c: {  	v1 =	vor.u32 v3, v4;
	v3 =	vld [tilespmem:s20+$0x150]  }
0x6d: {  	v2 =	vand.u32 $0xFFFF, v2;
	v0 =	vshll.u32 v0, $0x10;
	[tilespmem:s21+$0x30] =	vst v1;
	v1 =	vld [tilespmem:s20+$0x1D0]  }
0x6e: {  	v0 =	vor.u32 v2, v0;
	v2 =	vld [tilespmem:s20+$0x40]  }
0x6f: {  	v4 =	vand.u32 $0xFFFF, v6;
	v5 =	vshll.u32 v7, $0x10;
	[tilespmem:s21+$0xFFFFFFC0] =	vst v0;
	v0 =	vld [tilespmem:s20+$0xC0]  }
0x70: {  	v4 =	vor.u32 v4, v5;
	v5 =	vld [tilespmem:s20+$0xFFFFFF50]  }
0x71: {  	[tilespmem:s21+$0xFFFFFF40] =	vst v4;
	v4 =	vld [tilespmem:s20+$0xFFFFFFD0]  }
0x72: {  	v6 =	vld [tilespmem:s20+$0xFFFFFE50];
	v3 =	vand.u32 $0xFFFF, v3;
	v1 =	vshll.u32 v1, $0x10  }
0x73: {  	v7 =	vld [tilespmem:s20+$0xFFFFFED0];
	v1 =	vor.u32 v3, v1  }
0x74: {  	v2 =	vand.u32 $0xFFFF, v2;
	v0 =	vshll.u32 v0, $0x10;
	[tilespmem:s21+$0xD0] =	vst v1  }
0x75: {  	v0 =	vor.u32 v2, v0;
	v8 =	vld [tilespmem:s20+$0x160]  }
0x76: {  	v1 =	vand.u32 $0xFFFF, v5;
	v2 =	vshll.u32 v4, $0x10;
	v4 =	vld [tilespmem:s20+$0x1E0];
	[tilespmem:s21+$0x40] =	vst v0  }
0x77: {  	v0 =	vor.u32 v1, v2;
	v5 =	vld [tilespmem:s20+$0x50]  }
0x78: {  	v1 =	vand.u32 $0xFFFF, v6;
	v2 =	vshll.u32 v7, $0x10;
	[tilespmem:s21+$0xFFFFFFD0] =	vst v0;
	v3 =	vld [tilespmem:s20+$0xD0]  }
0x79: {  	v1 =	vor.u32 v1, v2;
	v0 =	vld [tilespmem:s20+$0xFFFFFF60]  }
0x7a: {  	[tilespmem:s21+$0xFFFFFF50] =	vst v1;
	v1 =	vld [tilespmem:s20+$0xFFFFFFE0]  }
0x7b: {  	v2 =	vld [tilespmem:s20+$0xFFFFFE60];
	v6 =	vand.u32 $0xFFFF, v8;
	v7 =	vshll.u32 v4, $0x10  }
0x7c: {  	s23 =	simm.s32 $0x0;
	s24 =	simm.s32 $0x8300;
	s22 =	simm.s32 $0x11600;
	v4 =	vld [tilespmem:s20+$0xFFFFFEE0];
	v6 =	vor.u32 v6, v7;
	v5 =	vand.u32 $0xFFFF, v5  }
.LBB2_7:
0x7d: {  	v7 =	vld [tilespmem:s24+$0x100];
	v3 =	vshll.u32 v3, $0x10;
	[tilespmem:s21+$0xE0] =	vst v6  }
0x7e: {  	v0 =	vand.u32 $0xFFFF, v0;
	v3 =	vor.u32 v5, v3;
	v5 =	vld [tilespmem:s20+$0x170]  }
0x7f: {  	v1 =	vshll.u32 v1, $0x10;
	[tilespmem:s21+$0x50] =	vst v3;
	v3 =	vld [tilespmem:s20+$0x1F0]  }
0x80: {  	v6 =	vld [tilespmem:s24+$0x180];
	v2 =	vand.u32 $0xFFFF, v2;
	v0 =	vor.u32 v0, v1  }
0x81: {  	v1 =	vld [tilespmem:s24+$0xFFFFFE80];
	v4 =	vshll.u32 v4, $0x10;
	[tilespmem:s21+$0xFFFFFFE0] =	vst v0  }
0x82: {  	v0 =	vld [tilespmem:s24+$0xFFFFFF00];
	v2 =	vor.u32 v2, v4  }
0x83: {  	v4 =	vld [tilespmem:s24+$0xFFFFFF80];
	[tilespmem:s21+$0xFFFFFF60] =	vst v2  }
0x84: {  	v5 =	vand.u32 $0xFFFF, v5;
	v2 =	vld [tilespmem:s24+$0x0];
	v3 =	vshll.u32 v3, $0x10  }
0x85: {  	v7 =	vand.u32 $0xFFFF, v7;
	v8 =	vld [tilespmem:s24+$0x80];
	v6 =	vshll.u32 v6, $0x10;
	v3 =	vor.u32 v5, v3  }
0x86: {  	s21 =	sadd.s32 $0x200, s21;
	v5 =	vld [tilespmem:s24+$0xFFFFFE00];
	v1 =	vshll.u32 v1, $0x10;
	v6 =	vor.u32 v7, v6;
	[tilespmem:s22+$0xF0] =	vst v3  }
0x87: {  	s23 =	sadd.s32 $0x4, s23;
	v0 =	vand.u32 $0xFFFF, v0;
	[tilespmem:s21+$0x80] =	vst v6;
	v3 =	vld [tilespmem:s20+$0x60]  }
0x88: {  	p0 =	slt.u32 s23, $0x60;
	v4 =	vshll.u32 v4, $0x10;
	v6 =	vld [tilespmem:s24+$0x110]  }
0x89: {  	v0 =	vor.u32 v0, v4;
	v2 =	vand.u32 $0xFFFF, v2;
	v4 =	vld [tilespmem:s24+$0x190]  }
0x8a: {  	[tilespmem:s21+$0xFFFFFF80] =	vst v0;
	v0 =	vshll.u32 v8, $0x10;
	v7 =	vld [tilespmem:s20+$0xE0]  }
0x8b: {  	v5 =	vand.u32 $0xFFFF, v5;
	v8 =	vld [tilespmem:s24+$0xFFFFFF10];
	v0 =	vor.u32 v2, v0  }
0x8c: {  	v1 =	vor.u32 v5, v1;
	v2 =	vld [tilespmem:s24+$0xFFFFFF90];
	[tilespmem:s21+$0x0] =	vst v0;
	v0 =	vand.u32 $0xFFFF, v3  }
0x8d: {  	[tilespmem:s21+$0xFFFFFF00] =	vst v1;
	v1 =	vld [tilespmem:s24+$0x10]  }
0x8e: {  	v5 =	vand.u32 $0xFFFF, v6;
	v3 =	vld [tilespmem:s24+$0xFFFFFE10];
	v4 =	vshll.u32 v4, $0x10  }
0x8f: {  	v6 =	vld [tilespmem:s24+$0xFFFFFE90];
	v4 =	vor.u32 v5, v4;
	v5 =	vshll.u32 v7, $0x10  }
0x90: {  	v7 =	vand.u32 $0xFFFF, v8;
	v8 =	vld [tilespmem:s24+$0x90];
	[tilespmem:s21+$0x90] =	vst v4;
	v0 =	vor.u32 v0, v5  }
0x91: {  	v2 =	vshll.u32 v2, $0x10;
	v4 =	vld [tilespmem:s24+$0x120];
	[tilespmem:s22+$0x60] =	vst v0  }
0x92: {  	v0 =	vor.u32 v7, v2;
	v1 =	vand.u32 $0xFFFF, v1;
	v2 =	vld [tilespmem:s24+$0x1A0]  }
0x93: {  	v3 =	vand.u32 $0xFFFF, v3;
	[tilespmem:s21+$0xFFFFFF90] =	vst v0;
	v0 =	vld [tilespmem:s20+$0xFFFFFE70]  }
0x94: {  	v5 =	vshll.u32 v6, $0x10;
	v6 =	vld [tilespmem:s24+$0xFFFFFF20]  }
0x95: {  	v3 =	vor.u32 v3, v5;
	v5 =	vld [tilespmem:s24+$0xFFFFFFA0];
	v7 =	vshll.u32 v8, $0x10  }
0x96: {  	[tilespmem:s21+$0xFFFFFF10] =	vst v3;
	v1 =	vor.u32 v1, v7;
	v3 =	vld [tilespmem:s20+$0xFFFFFEF0]  }
0x97: {  	v7 =	vld [tilespmem:s24+$0xFFFFFE20];
	[tilespmem:s21+$0x10] =	vst v1;
	v1 =	vand.u32 $0xFFFF, v4;
	v2 =	vshll.u32 v2, $0x10  }
0x98: {  	v4 =	vld [tilespmem:s24+$0xFFFFFEA0];
	v1 =	vor.u32 v1, v2;
	v0 =	vand.u32 $0xFFFF, v0  }
0x99: {  	v2 =	vand.u32 $0xFFFF, v6;
	v6 =	vld [tilespmem:s24+$0x20];
	[tilespmem:s21+$0xA0] =	vst v1  }
0x9a: {  	v1 =	vshll.u32 v5, $0x10;
	v5 =	vld [tilespmem:s24+$0x130]  }
0x9b: {  	v1 =	vor.u32 v2, v1;
	v2 =	vld [tilespmem:s24+$0x1B0];
	v3 =	vshll.u32 v3, $0x10  }
0x9c: {  	v7 =	vand.u32 $0xFFFF, v7;
	[tilespmem:s21+$0xFFFFFFA0] =	vst v1;
	v1 =	vld [tilespmem:s24+$0xA0];
	v0 =	vor.u32 v0, v3  }
0x9d: {  	v3 =	vshll.u32 v4, $0x10;
	v4 =	vld [tilespmem:s24+$0xFFFFFF30];
	[tilespmem:s22+$0xFFFFFF70] =	vst v0  }
0x9e: {  	v0 =	vor.u32 v7, v3;
	v3 =	vld [tilespmem:s24+$0xFFFFFFB0];
	v6 =	vand.u32 $0xFFFF, v6  }
0x9f: {  	[tilespmem:s21+$0xFFFFFF20] =	vst v0;
	v0 =	vld [tilespmem:s20+$0xFFFFFF70]  }
0xa0: {  	v5 =	vand.u32 $0xFFFF, v5;
	v7 =	vld [tilespmem:s24+$0xFFFFFE30];
	v2 =	vshll.u32 v2, $0x10  }
0xa1: {  	v8 =	vld [tilespmem:s24+$0xFFFFFEB0];
	v1 =	vshll.u32 v1, $0x10;
	v2 =	vor.u32 v5, v2  }
0xa2: {  	v4 =	vand.u32 $0xFFFF, v4;
	v1 =	vor.u32 v6, v1;
	[tilespmem:s21+$0xB0] =	vst v2;
	v2 =	vld [tilespmem:s20+$0xFFFFFFF0]  }
0xa3: {  	v3 =	vshll.u32 v3, $0x10;
	[tilespmem:s21+$0x20] =	vst v1;
	v1 =	vld [tilespmem:s24+$0x140]  }
0xa4: {  	v3 =	vor.u32 v4, v3;
	v4 =	vld [tilespmem:s24+$0x1C0];
	v0 =	vand.u32 $0xFFFF, v0  }
0xa5: {  	v5 =	vand.u32 $0xFFFF, v7;
	[tilespmem:s21+$0xFFFFFFB0] =	vst v3;
	v3 =	vld [tilespmem:s24+$0x30]  }
0xa6: {  	v6 =	vshll.u32 v8, $0x10;
	v7 =	vld [tilespmem:s24+$0xB0]  }
0xa7: {  	v5 =	vor.u32 v5, v6;
	v6 =	vld [tilespmem:s24+$0xFFFFFF40];
	v2 =	vshll.u32 v2, $0x10  }
0xa8: {  	[tilespmem:s21+$0xFFFFFF30] =	vst v5;
	v5 =	vld [tilespmem:s24+$0xFFFFFFC0];
	v0 =	vor.u32 v0, v2  }
0xa9: {  	v1 =	vand.u32 $0xFFFF, v1;
	v2 =	vld [tilespmem:s24+$0xFFFFFE40];
	v4 =	vshll.u32 v4, $0x10;
	[tilespmem:s22+$0xFFFFFFF0] =	vst v0  }
0xaa: {  	v0 =	vld [tilespmem:s24+$0xFFFFFEC0];
	v3 =	vand.u32 $0xFFFF, v3;
	v1 =	vor.u32 v1, v4  }
0xab: {  	v4 =	vshll.u32 v7, $0x10;
	[tilespmem:s21+$0xC0] =	vst v1;
	v1 =	vld [tilespmem:s20+$0x70]  }
0xac: {  	v6 =	vand.u32 $0xFFFF, v6;
	v3 =	vor.u32 v3, v4;
	v4 =	vld [tilespmem:s24+$0x150]  }
0xad: {  	v5 =	vshll.u32 v5, $0x10;
	[tilespmem:s21+$0x30] =	vst v3;
	v3 =	vld [tilespmem:s24+$0x1D0]  }
0xae: {  	v2 =	vand.u32 $0xFFFF, v2;
	v5 =	vor.u32 v6, v5;
	v6 =	vld [tilespmem:s24+$0x40]  }
0xaf: {  	v0 =	vshll.u32 v0, $0x10;
	[tilespmem:s21+$0xFFFFFFC0] =	vst v5;
	v5 =	vld [tilespmem:s24+$0xC0]  }
0xb0: {  	v0 =	vor.u32 v2, v0;
	v2 =	vld [tilespmem:s24+$0xFFFFFF50];
	v7 =	vand.u32 $0xFFFF, v1  }
0xb1: {  	[tilespmem:s21+$0xFFFFFF40] =	vst v0;
	v0 =	vld [tilespmem:s24+$0xFFFFFFD0]  }
0xb2: {  	v4 =	vand.u32 $0xFFFF, v4;
	v1 =	vld [tilespmem:s24+$0xFFFFFE50];
	v3 =	vshll.u32 v3, $0x10  }
0xb3: {  	v8 =	vld [tilespmem:s24+$0xFFFFFED0];
	v6 =	vand.u32 $0xFFFF, v6;
	v3 =	vor.u32 v4, v3  }
0xb4: {  	v4 =	vshll.u32 v5, $0x10;
	[tilespmem:s21+$0xD0] =	vst v3;
	v5 =	vld [tilespmem:s20+$0xF0];
	s20 =	smov.u32 s24  }
0xb5: {  	v2 =	vand.u32 $0xFFFF, v2;
	v3 =	vor.u32 v6, v4;
	v4 =	vld [tilespmem:s24+$0x160]  }
0xb6: {  	v0 =	vshll.u32 v0, $0x10;
	[tilespmem:s21+$0x40] =	vst v3;
	v6 =	vld [tilespmem:s24+$0x1E0]  }
0xb7: {  	v1 =	vand.u32 $0xFFFF, v1;
	v0 =	vor.u32 v2, v0;
	v9 =	vld [tilespmem:s24+$0x50]  }
.Ltmp5:
0xb8: {  	v2 =	vshll.u32 v8, $0x10;
	[tilespmem:s21+$0xFFFFFFD0] =	vst v0;
	v3 =	vld [tilespmem:s24+$0xD0];
	(pc) =	sbr.rel @p0 .LBB2_7-.Ltmp5, $4  }
0xb9: {  	v1 =	vor.u32 v1, v2;
	v0 =	vld [tilespmem:s24+$0xFFFFFF60];
	v2 =	vshll.u32 v5, $0x10  }
0xba: {  	[tilespmem:s21+$0xFFFFFF50] =	vst v1;
	v1 =	vld [tilespmem:s24+$0xFFFFFFE0];
	v5 =	vor.u32 v7, v2  }
0xbb: {  	v7 =	vand.u32 $0xFFFF, v4;
	v2 =	vld [tilespmem:s24+$0xFFFFFE60];
	v6 =	vshll.u32 v6, $0x10;
	[tilespmem:s22+$0x70] =	vst v5;
	s22 =	smov.u32 s21  }
0xbc: {  	s24 =	sadd.s32 $0x400, s24;
	v4 =	vld [tilespmem:s20+$0xFFFFFEE0];
	v5 =	vand.u32 $0xFFFF, v9;
	v6 =	vor.u32 v7, v6  }
0xbd: {  	v3 =	vshll.u32 v3, $0x10  }
0xbe: {  	v3 =	vor.u32 v5, v3  }
0xbf: {  	[tilespmem:s21+$0x50] =	vst v3  }
0xc0: {  	v3 =	vld [tilespmem:s20+$0x60]  }
0xc1: {  	v52 =	vld [tilespmem:s20+$0xE0]  }
0xc2: {  	[tilespmem:s21+$0xE0] =	vst v6;
	v0 =	vand.u32 $0xFFFF, v0;
	v1 =	vshll.u32 v1, $0x10  }
0xc3: {  	v6 =	vld [tilespmem:s20+$0x170];
	v0 =	vor.u32 v0, v1  }
0xc4: {  	v53 =	vld [tilespmem:s20+$0x1F0];
	v2 =	vand.u32 $0xFFFF, v2;
	v4 =	vshll.u32 v4, $0x10;
	[tilespmem:s21+$0xFFFFFFE0] =	vst v0  }
0xc5: {  	v2 =	vor.u32 v2, v4;
	v58 =	vld [tilespmem:s20+$0xFFFFFF70]  }
0xc6: {  	v59 =	vld [tilespmem:s20+$0xFFFFFFF0];
	[tilespmem:s21+$0xFFFFFF60] =	vst v2;
	v55 =	vand.u32 $0xFFFF, v3;
	v56 =	vshll.u32 v52, $0x10  }
0xc7: {  	v54 =	vld [tilespmem:s20+$0xFFFFFE70];
	v0 =	vor.u32 v55, v56  }
0xc8: {  	v57 =	vld [tilespmem:s20+$0xFFFFFEF0];
	[tilespmem:s22+$0x60] =	vst v0  }
0xc9: {  	v60 =	vld [tilespmem:s20+$0x70]  }
0xca: {  	v7 =	vld [tilespmem:s20+$0xF0];
	_ =	sdelay $0x1  }
0xcb: {  	v6 =	vand.u32 $0xFFFF, v6;
	v4 =	vshll.u32 v53, $0x10  }
0xcc: {  	v4 =	vor.u32 v6, v4;
	v2 =	vand.u32 $0xFFFF, v58;
	v0 =	vshll.u32 v59, $0x10  }
.Ltmp6:
0xcd: {  	s31 =	sadd.s32 s5, s19;
	[tilespmem:s22+$0xF0] =	vst v4;
	v0 =	vor.u32 v2, v0;
	v1 =	vand.u32 $0xFFFF, v54;
	v3 =	vshll.u32 v57, $0x10;
	(pc) =	sbr.rel .LBB2_9-.Ltmp6, $4  }
0xce: {  	s20 =	smul.u32 $0x640, s31;
	[tilespmem:s22+$0xFFFFFFF0] =	vst v0;
	v1 =	vor.u32 v1, v3;
	v61 =	vand.u32 $0xFFFF, v60;
	v62 =	vshll.u32 v7, $0x10  }
0xcf: {  	[tilespmem:s22+$0xFFFFFF70] =	vst v1;
	v63 =	vor.u32 v61, v62  }
0xd0: {  	s20 =	sadd.s32 s2, s20;
	[tilespmem:s22+$0x70] =	vst v63  }
0xd1: {  	[hbm4b:s20+s3] =	stream.linear.scatter [tilespmem:s12], [sflag:$0x4], $0x3200, $0x38;
	[tilespmem:$0x14900] =	vst v63  }
.LBB2_3:
0xd2: {  	s20 =	smul.u32 $0x320, s19;
	_ =	sdelay $0x1  }
0xd3: {  	s20 =	sshra.s32 s20, $0x2  }
0xd4: {  	s20 =	sadd.s32 $0xC8, s20  }
0xd5: {  	[tilespmem:s15], [sflag:$0x2] =	stream.indirect.gather [hbm4b:s4+s9], $0x80, s20, s9, $0xb8;
	[tilespmem:$0x14900] =	vst v63  }
0xd6: {  	_ =	swait.ge [sflag:s16], $0x6400  }
0xd7: {  	p0 =	slt.u32 s19, $0x2;
	[sflag:s16] =	ssyncset.done $0x0  }
0xd8: {  	s20 =	simm.s32 @!p0 $0x3;
	[sflag:s16] =	ssyncadd.s32 $0xFFFF9C00  }
0xd9: {  	_ =	swait.ge @!p0 [sflag:s20], $0x3200  }
0xda: {  	[sflag:s20] =	ssyncset.done @!p0 $0x0  }
0xdb: {  	[sflag:s20] =	ssyncadd.s32 @!p0 $0xFFFFCE00;
	s20 =	simm.s32 $0x1B00  }
0xdc: {  	v0 =	vld [tilespmem:s20+$0x100]  }
0xdd: {  	v1 =	vld [tilespmem:s20+$0x180];
	_ =	sdelay $0x2  }
0xde: {  	v2 =	vld [tilespmem:s20+$0xFFFFFF00]  }
0xdf: {  	v3 =	vld [tilespmem:s20+$0xFFFFFF80]  }
0xe0: {  	v4 =	vld [tilespmem:s20+$0xFFFFFE80];
	v0 =	vand.u32 $0xFFFF, v0;
	v1 =	vshll.u32 v1, $0x10  }
0xe1: {  	s21 =	simm.s32 $0xE200;
	v5 =	vld [tilespmem:s20+$0xFFFFFE00];
	v0 =	vor.u32 v0, v1  }
0xe2: {  	[tilespmem:s21+$0x80] =	vst v0  }
0xe3: {  	v0 =	vld [tilespmem:s20+$0x110]  }
0xe4: {  	v1 =	vand.u32 $0xFFFF, v2;
	v2 =	vshll.u32 v3, $0x10;
	v3 =	vld [tilespmem:s20+$0x190]  }
0xe5: {  	v6 =	vld [tilespmem:s20+$0x0];
	v1 =	vor.u32 v1, v2  }
0xe6: {  	v4 =	vshll.u32 v4, $0x10;
	v2 =	vld [tilespmem:s20+$0x80];
	[tilespmem:s21+$0xFFFFFF80] =	vst v1;
	v1 =	vand.u32 $0xFFFF, v5  }
0xe7: {  	v5 =	vld [tilespmem:s20+$0xFFFFFF10];
	v1 =	vor.u32 v1, v4  }
0xe8: {  	v4 =	vld [tilespmem:s20+$0xFFFFFF90];
	[tilespmem:s21+$0xFFFFFF00] =	vst v1  }
0xe9: {  	v1 =	vld [tilespmem:s20+$0xFFFFFE10];
	v0 =	vand.u32 $0xFFFF, v0;
	v3 =	vshll.u32 v3, $0x10  }
0xea: {  	v7 =	vld [tilespmem:s20+$0xFFFFFE90];
	v0 =	vor.u32 v0, v3  }
0xeb: {  	v2 =	vshll.u32 v2, $0x10;
	v3 =	vand.u32 $0xFFFF, v6;
	[tilespmem:s21+$0x90] =	vst v0  }
0xec: {  	v0 =	vor.u32 v3, v2;
	v2 =	vld [tilespmem:s20+$0x120]  }
0xed: {  	v3 =	vshll.u32 v4, $0x10;
	[tilespmem:s21+$0x0] =	vst v0;
	v0 =	vand.u32 $0xFFFF, v5;
	v4 =	vld [tilespmem:s20+$0x1A0]  }
0xee: {  	v5 =	vld [tilespmem:s20+$0x10];
	v0 =	vor.u32 v0, v3  }
0xef: {  	v1 =	vand.u32 $0xFFFF, v1;
	v3 =	vld [tilespmem:s20+$0x90];
	[tilespmem:s21+$0xFFFFFF90] =	vst v0;
	v0 =	vshll.u32 v7, $0x10  }
0xf0: {  	v6 =	vld [tilespmem:s20+$0xFFFFFF20];
	v0 =	vor.u32 v1, v0  }
0xf1: {  	v1 =	vld [tilespmem:s20+$0xFFFFFFA0];
	[tilespmem:s21+$0xFFFFFF10] =	vst v0  }
0xf2: {  	v0 =	vld [tilespmem:s20+$0xFFFFFE20];
	v2 =	vand.u32 $0xFFFF, v2;
	v4 =	vshll.u32 v4, $0x10  }
0xf3: {  	v7 =	vld [tilespmem:s20+$0xFFFFFEA0];
	v2 =	vor.u32 v2, v4  }
0xf4: {  	v4 =	vand.u32 $0xFFFF, v5;
	v3 =	vshll.u32 v3, $0x10;
	[tilespmem:s21+$0xA0] =	vst v2  }
0xf5: {  	v2 =	vor.u32 v4, v3;
	v3 =	vld [tilespmem:s20+$0x130]  }
0xf6: {  	[tilespmem:s21+$0x10] =	vst v2;
	v2 =	vand.u32 $0xFFFF, v6;
	v1 =	vshll.u32 v1, $0x10;
	v4 =	vld [tilespmem:s20+$0x1B0]  }
0xf7: {  	v5 =	vld [tilespmem:s20+$0x20];
	v1 =	vor.u32 v2, v1  }
0xf8: {  	v0 =	vand.u32 $0xFFFF, v0;
	[tilespmem:s21+$0xFFFFFFA0] =	vst v1;
	v1 =	vld [tilespmem:s20+$0xA0];
	v2 =	vshll.u32 v7, $0x10  }
0xf9: {  	v6 =	vld [tilespmem:s20+$0xFFFFFF30];
	v0 =	vor.u32 v0, v2  }
0xfa: {  	v2 =	vld [tilespmem:s20+$0xFFFFFFB0];
	[tilespmem:s21+$0xFFFFFF20] =	vst v0  }
0xfb: {  	v0 =	vld [tilespmem:s20+$0xFFFFFE30];
	v3 =	vand.u32 $0xFFFF, v3;
	v4 =	vshll.u32 v4, $0x10  }
0xfc: {  	v7 =	vld [tilespmem:s20+$0xFFFFFEB0];
	v3 =	vor.u32 v3, v4  }
0xfd: {  	v4 =	vand.u32 $0xFFFF, v5;
	v1 =	vshll.u32 v1, $0x10;
	[tilespmem:s21+$0xB0] =	vst v3  }
0xfe: {  	v1 =	vor.u32 v4, v1;
	v3 =	vld [tilespmem:s20+$0x140]  }
0xff: {  	v4 =	vand.u32 $0xFFFF, v6;
	v2 =	vshll.u32 v2, $0x10;
	[tilespmem:s21+$0x20] =	vst v1;
	v1 =	vld [tilespmem:s20+$0x1C0]  }
0x100: {  	v2 =	vor.u32 v4, v2;
	v4 =	vld [tilespmem:s20+$0x30]  }
0x101: {  	v0 =	vand.u32 $0xFFFF, v0;
	[tilespmem:s21+$0xFFFFFFB0] =	vst v2;
	v2 =	vshll.u32 v7, $0x10;
	v5 =	vld [tilespmem:s20+$0xB0]  }
0x102: {  	v0 =	vor.u32 v0, v2;
	v2 =	vld [tilespmem:s20+$0xFFFFFF40]  }
0x103: {  	[tilespmem:s21+$0xFFFFFF30] =	vst v0;
	v0 =	vld [tilespmem:s20+$0xFFFFFFC0]  }
0x104: {  	v6 =	vld [tilespmem:s20+$0xFFFFFE40];
	v3 =	vand.u32 $0xFFFF, v3;
	v1 =	vshll.u32 v1, $0x10  }
0x105: {  	v7 =	vld [tilespmem:s20+$0xFFFFFEC0];
	v1 =	vor.u32 v3, v1  }
0x106: {  	v3 =	vand.u32 $0xFFFF, v4;
	v4 =	vshll.u32 v5, $0x10;
	[tilespmem:s21+$0xC0] =	vst v1  }
0x107: {  	v1 =	vor.u32 v3, v4;
	v3 =	vld [tilespmem:s20+$0x150]  }
0x108: {  	v2 =	vand.u32 $0xFFFF, v2;
	v0 =	vshll.u32 v0, $0x10;
	[tilespmem:s21+$0x30] =	vst v1;
	v1 =	vld [tilespmem:s20+$0x1D0]  }
0x109: {  	v0 =	vor.u32 v2, v0;
	v2 =	vld [tilespmem:s20+$0x40]  }
0x10a: {  	v4 =	vand.u32 $0xFFFF, v6;
	v5 =	vshll.u32 v7, $0x10;
	[tilespmem:s21+$0xFFFFFFC0] =	vst v0;
	v0 =	vld [tilespmem:s20+$0xC0]  }
0x10b: {  	v4 =	vor.u32 v4, v5;
	v5 =	vld [tilespmem:s20+$0xFFFFFF50]  }
0x10c: {  	[tilespmem:s21+$0xFFFFFF40] =	vst v4;
	v4 =	vld [tilespmem:s20+$0xFFFFFFD0]  }
0x10d: {  	v6 =	vld [tilespmem:s20+$0xFFFFFE50];
	v3 =	vand.u32 $0xFFFF, v3;
	v1 =	vshll.u32 v1, $0x10  }
0x10e: {  	v7 =	vld [tilespmem:s20+$0xFFFFFED0];
	v1 =	vor.u32 v3, v1  }
0x10f: {  	v2 =	vand.u32 $0xFFFF, v2;
	v0 =	vshll.u32 v0, $0x10;
	[tilespmem:s21+$0xD0] =	vst v1  }
0x110: {  	v0 =	vor.u32 v2, v0;
	v8 =	vld [tilespmem:s20+$0x160]  }
0x111: {  	v1 =	vand.u32 $0xFFFF, v5;
	v2 =	vshll.u32 v4, $0x10;
	v4 =	vld [tilespmem:s20+$0x1E0];
	[tilespmem:s21+$0x40] =	vst v0  }
0x112: {  	v0 =	vor.u32 v1, v2;
	v5 =	vld [tilespmem:s20+$0x50]  }
0x113: {  	v1 =	vand.u32 $0xFFFF, v6;
	v2 =	vshll.u32 v7, $0x10;
	[tilespmem:s21+$0xFFFFFFD0] =	vst v0;
	v3 =	vld [tilespmem:s20+$0xD0]  }
0x114: {  	v1 =	vor.u32 v1, v2;
	v0 =	vld [tilespmem:s20+$0xFFFFFF60]  }
0x115: {  	[tilespmem:s21+$0xFFFFFF50] =	vst v1;
	v1 =	vld [tilespmem:s20+$0xFFFFFFE0]  }
0x116: {  	v2 =	vld [tilespmem:s20+$0xFFFFFE60];
	v6 =	vand.u32 $0xFFFF, v8;
	v7 =	vshll.u32 v4, $0x10  }
0x117: {  	s23 =	simm.s32 $0x0;
	s24 =	simm.s32 $0x1F00;
	s22 =	simm.s32 $0xE200;
	v4 =	vld [tilespmem:s20+$0xFFFFFEE0];
	v6 =	vor.u32 v6, v7;
	v5 =	vand.u32 $0xFFFF, v5  }
.LBB2_4:
0x118: {  	v7 =	vld [tilespmem:s24+$0x100];
	v3 =	vshll.u32 v3, $0x10;
	[tilespmem:s21+$0xE0] =	vst v6  }
0x119: {  	v0 =	vand.u32 $0xFFFF, v0;
	v3 =	vor.u32 v5, v3;
	v5 =	vld [tilespmem:s20+$0x170]  }
0x11a: {  	v1 =	vshll.u32 v1, $0x10;
	[tilespmem:s21+$0x50] =	vst v3;
	v3 =	vld [tilespmem:s20+$0x1F0]  }
0x11b: {  	v2 =	vand.u32 $0xFFFF, v2;
	v0 =	vor.u32 v0, v1;
	v6 =	vld [tilespmem:s24+$0x180]  }
0x11c: {  	v4 =	vshll.u32 v4, $0x10;
	v1 =	vld [tilespmem:s24+$0xFFFFFE80];
	[tilespmem:s21+$0xFFFFFFE0] =	vst v0  }
0x11d: {  	v2 =	vor.u32 v2, v4;
	v0 =	vld [tilespmem:s24+$0xFFFFFF00]  }
0x11e: {  	v4 =	vld [tilespmem:s24+$0xFFFFFF80];
	[tilespmem:s21+$0xFFFFFF60] =	vst v2  }
0x11f: {  	v5 =	vand.u32 $0xFFFF, v5;
	v2 =	vld [tilespmem:s24+$0x0];
	v3 =	vshll.u32 v3, $0x10  }
0x120: {  	v7 =	vand.u32 $0xFFFF, v7;
	v8 =	vld [tilespmem:s24+$0x80];
	v6 =	vshll.u32 v6, $0x10;
	v3 =	vor.u32 v5, v3  }
0x121: {  	s21 =	sadd.s32 $0x200, s21;
	v5 =	vld [tilespmem:s24+$0xFFFFFE00];
	v1 =	vshll.u32 v1, $0x10;
	v6 =	vor.u32 v7, v6;
	[tilespmem:s22+$0xF0] =	vst v3  }
0x122: {  	s23 =	sadd.s32 $0x4, s23;
	v0 =	vand.u32 $0xFFFF, v0;
	[tilespmem:s21+$0x80] =	vst v6;
	v3 =	vld [tilespmem:s20+$0x60]  }
0x123: {  	p0 =	slt.u32 s23, $0x60;
	v4 =	vshll.u32 v4, $0x10;
	v6 =	vld [tilespmem:s24+$0x110]  }
0x124: {  	v0 =	vor.u32 v0, v4;
	v2 =	vand.u32 $0xFFFF, v2;
	v4 =	vld [tilespmem:s24+$0x190]  }
0x125: {  	[tilespmem:s21+$0xFFFFFF80] =	vst v0;
	v0 =	vshll.u32 v8, $0x10;
	v7 =	vld [tilespmem:s20+$0xE0]  }
0x126: {  	v5 =	vand.u32 $0xFFFF, v5;
	v8 =	vld [tilespmem:s24+$0xFFFFFF10];
	v0 =	vor.u32 v2, v0  }
0x127: {  	v1 =	vor.u32 v5, v1;
	v2 =	vld [tilespmem:s24+$0xFFFFFF90];
	[tilespmem:s21+$0x0] =	vst v0;
	v0 =	vand.u32 $0xFFFF, v3  }
0x128: {  	[tilespmem:s21+$0xFFFFFF00] =	vst v1;
	v1 =	vld [tilespmem:s24+$0x10]  }
0x129: {  	v5 =	vand.u32 $0xFFFF, v6;
	v3 =	vld [tilespmem:s24+$0xFFFFFE10];
	v4 =	vshll.u32 v4, $0x10  }
0x12a: {  	v6 =	vld [tilespmem:s24+$0xFFFFFE90];
	v4 =	vor.u32 v5, v4;
	v5 =	vshll.u32 v7, $0x10  }
0x12b: {  	v7 =	vand.u32 $0xFFFF, v8;
	v8 =	vld [tilespmem:s24+$0x90];
	[tilespmem:s21+$0x90] =	vst v4;
	v0 =	vor.u32 v0, v5  }
0x12c: {  	v2 =	vshll.u32 v2, $0x10;
	v4 =	vld [tilespmem:s24+$0x120];
	[tilespmem:s22+$0x60] =	vst v0  }
0x12d: {  	v0 =	vor.u32 v7, v2;
	v1 =	vand.u32 $0xFFFF, v1;
	v2 =	vld [tilespmem:s24+$0x1A0]  }
0x12e: {  	v3 =	vand.u32 $0xFFFF, v3;
	[tilespmem:s21+$0xFFFFFF90] =	vst v0;
	v0 =	vld [tilespmem:s20+$0xFFFFFE70]  }
0x12f: {  	v5 =	vshll.u32 v6, $0x10;
	v6 =	vld [tilespmem:s24+$0xFFFFFF20]  }
0x130: {  	v3 =	vor.u32 v3, v5;
	v5 =	vld [tilespmem:s24+$0xFFFFFFA0];
	v7 =	vshll.u32 v8, $0x10  }
0x131: {  	[tilespmem:s21+$0xFFFFFF10] =	vst v3;
	v1 =	vor.u32 v1, v7;
	v3 =	vld [tilespmem:s20+$0xFFFFFEF0]  }
0x132: {  	v7 =	vld [tilespmem:s24+$0xFFFFFE20];
	[tilespmem:s21+$0x10] =	vst v1;
	v1 =	vand.u32 $0xFFFF, v4;
	v2 =	vshll.u32 v2, $0x10  }
0x133: {  	v4 =	vld [tilespmem:s24+$0xFFFFFEA0];
	v1 =	vor.u32 v1, v2;
	v0 =	vand.u32 $0xFFFF, v0  }
0x134: {  	v2 =	vand.u32 $0xFFFF, v6;
	v6 =	vld [tilespmem:s24+$0x20];
	[tilespmem:s21+$0xA0] =	vst v1  }
0x135: {  	v1 =	vshll.u32 v5, $0x10;
	v5 =	vld [tilespmem:s24+$0x130]  }
0x136: {  	v1 =	vor.u32 v2, v1;
	v2 =	vld [tilespmem:s24+$0x1B0];
	v3 =	vshll.u32 v3, $0x10  }
0x137: {  	v7 =	vand.u32 $0xFFFF, v7;
	[tilespmem:s21+$0xFFFFFFA0] =	vst v1;
	v1 =	vld [tilespmem:s24+$0xA0];
	v0 =	vor.u32 v0, v3  }
0x138: {  	v3 =	vshll.u32 v4, $0x10;
	v4 =	vld [tilespmem:s24+$0xFFFFFF30];
	[tilespmem:s22+$0xFFFFFF70] =	vst v0  }
0x139: {  	v0 =	vor.u32 v7, v3;
	v3 =	vld [tilespmem:s24+$0xFFFFFFB0];
	v6 =	vand.u32 $0xFFFF, v6  }
0x13a: {  	[tilespmem:s21+$0xFFFFFF20] =	vst v0;
	v0 =	vld [tilespmem:s20+$0xFFFFFF70]  }
0x13b: {  	v5 =	vand.u32 $0xFFFF, v5;
	v7 =	vld [tilespmem:s24+$0xFFFFFE30];
	v2 =	vshll.u32 v2, $0x10  }
0x13c: {  	v8 =	vld [tilespmem:s24+$0xFFFFFEB0];
	v1 =	vshll.u32 v1, $0x10;
	v2 =	vor.u32 v5, v2  }
0x13d: {  	v4 =	vand.u32 $0xFFFF, v4;
	v1 =	vor.u32 v6, v1;
	[tilespmem:s21+$0xB0] =	vst v2;
	v2 =	vld [tilespmem:s20+$0xFFFFFFF0]  }
0x13e: {  	v3 =	vshll.u32 v3, $0x10;
	[tilespmem:s21+$0x20] =	vst v1;
	v1 =	vld [tilespmem:s24+$0x140]  }
0x13f: {  	v3 =	vor.u32 v4, v3;
	v4 =	vld [tilespmem:s24+$0x1C0];
	v0 =	vand.u32 $0xFFFF, v0  }
0x140: {  	v5 =	vand.u32 $0xFFFF, v7;
	[tilespmem:s21+$0xFFFFFFB0] =	vst v3;
	v3 =	vld [tilespmem:s24+$0x30]  }
0x141: {  	v6 =	vshll.u32 v8, $0x10;
	v7 =	vld [tilespmem:s24+$0xB0]  }
0x142: {  	v5 =	vor.u32 v5, v6;
	v6 =	vld [tilespmem:s24+$0xFFFFFF40];
	v2 =	vshll.u32 v2, $0x10  }
0x143: {  	[tilespmem:s21+$0xFFFFFF30] =	vst v5;
	v5 =	vld [tilespmem:s24+$0xFFFFFFC0];
	v0 =	vor.u32 v0, v2  }
0x144: {  	v1 =	vand.u32 $0xFFFF, v1;
	v2 =	vld [tilespmem:s24+$0xFFFFFE40];
	v4 =	vshll.u32 v4, $0x10;
	[tilespmem:s22+$0xFFFFFFF0] =	vst v0  }
0x145: {  	v0 =	vld [tilespmem:s24+$0xFFFFFEC0];
	v3 =	vand.u32 $0xFFFF, v3;
	v1 =	vor.u32 v1, v4  }
0x146: {  	v4 =	vshll.u32 v7, $0x10;
	[tilespmem:s21+$0xC0] =	vst v1;
	v1 =	vld [tilespmem:s20+$0x70]  }
0x147: {  	v6 =	vand.u32 $0xFFFF, v6;
	v3 =	vor.u32 v3, v4;
	v4 =	vld [tilespmem:s24+$0x150]  }
0x148: {  	v5 =	vshll.u32 v5, $0x10;
	[tilespmem:s21+$0x30] =	vst v3;
	v3 =	vld [tilespmem:s24+$0x1D0]  }
0x149: {  	v2 =	vand.u32 $0xFFFF, v2;
	v5 =	vor.u32 v6, v5;
	v6 =	vld [tilespmem:s24+$0x40]  }
0x14a: {  	v0 =	vshll.u32 v0, $0x10;
	[tilespmem:s21+$0xFFFFFFC0] =	vst v5;
	v5 =	vld [tilespmem:s24+$0xC0]  }
0x14b: {  	v0 =	vor.u32 v2, v0;
	v2 =	vld [tilespmem:s24+$0xFFFFFF50];
	v7 =	vand.u32 $0xFFFF, v1  }
0x14c: {  	[tilespmem:s21+$0xFFFFFF40] =	vst v0;
	v0 =	vld [tilespmem:s24+$0xFFFFFFD0]  }
0x14d: {  	v4 =	vand.u32 $0xFFFF, v4;
	v1 =	vld [tilespmem:s24+$0xFFFFFE50];
	v3 =	vshll.u32 v3, $0x10  }
0x14e: {  	v8 =	vld [tilespmem:s24+$0xFFFFFED0];
	v6 =	vand.u32 $0xFFFF, v6;
	v3 =	vor.u32 v4, v3  }
0x14f: {  	v4 =	vshll.u32 v5, $0x10;
	[tilespmem:s21+$0xD0] =	vst v3;
	v5 =	vld [tilespmem:s20+$0xF0];
	s20 =	smov.u32 s24  }
0x150: {  	v2 =	vand.u32 $0xFFFF, v2;
	v3 =	vor.u32 v6, v4;
	v4 =	vld [tilespmem:s24+$0x160]  }
0x151: {  	v0 =	vshll.u32 v0, $0x10;
	[tilespmem:s21+$0x40] =	vst v3;
	v6 =	vld [tilespmem:s24+$0x1E0]  }
0x152: {  	v1 =	vand.u32 $0xFFFF, v1;
	v0 =	vor.u32 v2, v0;
	v9 =	vld [tilespmem:s24+$0x50]  }
.Ltmp7:
0x153: {  	v2 =	vshll.u32 v8, $0x10;
	[tilespmem:s21+$0xFFFFFFD0] =	vst v0;
	v3 =	vld [tilespmem:s24+$0xD0];
	(pc) =	sbr.rel @p0 .LBB2_4-.Ltmp7, $4  }
0x154: {  	v1 =	vor.u32 v1, v2;
	v0 =	vld [tilespmem:s24+$0xFFFFFF60];
	v2 =	vshll.u32 v5, $0x10  }
0x155: {  	[tilespmem:s21+$0xFFFFFF50] =	vst v1;
	v1 =	vld [tilespmem:s24+$0xFFFFFFE0];
	v5 =	vor.u32 v7, v2  }
0x156: {  	v7 =	vand.u32 $0xFFFF, v4;
	v2 =	vld [tilespmem:s24+$0xFFFFFE60];
	v6 =	vshll.u32 v6, $0x10;
	[tilespmem:s22+$0x70] =	vst v5;
	s22 =	smov.u32 s21  }
0x157: {  	s24 =	sadd.s32 $0x400, s24;
	v4 =	vld [tilespmem:s20+$0xFFFFFEE0];
	v5 =	vand.u32 $0xFFFF, v9;
	v6 =	vor.u32 v7, v6  }
.Ltmp8:
0x158: {  	_ = 	snop;
	(pc) =	sbr.rel .LBB2_5-.Ltmp8, $1  }
0x159: {  	_ =	sdelay $0x3  }
.LBB2_11:
0x15a: {  	_ =	sfence.sel $0x180000  }
0x15b: {  	[bflag:$0x0] =	sbarrier.arrive $0xFFFF  }
0x15c: {  	p0 =	sne.s32 s0, $0x0;
	_ =	strace $0x90000047  }
0x15d: {  	s0 =	sadd.s32 @!p0 $0x100000, s1;
	[bflag:$0x2] =	sbarrier.arrive $0xFFFF  }
0x15e: {  	[sflag:s0] =	ssyncadd.tile.s32 @!p0 $0x1;
	_ =	shalt  }
.Lfunc_end2:
_tile_overlayer_lowered:
.L_overlay_start_2:
0x15f: {  	(tag) =	ssettag $0x2  }
0x160: {  	s0 =	rddreg [dreg:$0x0];
	s2 =	stileid.u32  }
0x161: {  	s1 =	rddreg [dreg:$0x1];
	p0 =	sne.s32 s2, $0x0  }
0x162: {  	s3 =	rddreg [dreg:$0x2];
	[bflag:$0x3] =	sbarrier.arrive $0xFFFF;
	s2 =	simm.s32 @!p0 $0x1C05  }
0x163: {  	[timem:s3], [sflag:s2] =	dma.local @!p0 [hbm:s0], s1  }
0x164: {  	s0 =	simm.s32 @!p0 $0x5  }
0x165: {  	_ =	swait.ge @!p0 [sflag:s0], s1  }
0x166: {  	s1 =	ssub.s32 @!p0 $0x0, s1;
	[sflag:s0] =	ssyncset.done @!p0 $0x0  }
0x167: {  	[sflag:s0] =	ssyncadd.s32 @!p0 s1  }
0x168: {  	[bflag:$0x3] =	sbarrier.arrive $0xFFFF  }
0x169: {  	_ =	shalt  }

</sc_bundles>
